<compile_context>
chip_gen: v7x
topology: tpu7x:2x2x1
jax: 0.10.2.dev20260603
libtpu: 0.0.44.dev20260713+nightly
codegen_flags: <defaults>
</compile_context>

<pallas_src>
import functools

import jax
import jax.numpy as jnp
from jax import lax
from jax.experimental import pallas as pl
from jax.experimental.pallas import tpu as pltpu
from jax.experimental.pallas import tpu_sc as plsc

B = 1024
S = 200
D = 64
N = B * S
VOCAB = 1000000
NPOS = 201

NC = 2
NS = 16
NW = NC * NS
PER_W = N // NW

G = 80
JSUB = 4
CHUNK = G * JSUB
NCHUNK = PER_W // CHUNK

_mesh = plsc.VectorSubcoreMesh(core_axis_name="c", subcore_axis_name="s")


@functools.partial(
    pl.kernel,
    out_type=jax.ShapeDtypeStruct((N, D), jnp.float32),
    mesh=_mesh,
    compiler_params=pltpu.CompilerParams(use_tc_tiling_on_sc=False),
    scratch_types=[
        pltpu.VMEM((PER_W // G, G), jnp.int32),
        pltpu.VMEM((PER_W // G, G), jnp.int32),
        pltpu.VMEM((CHUNK, D), jnp.float32),
        pltpu.VMEM((CHUNK, D), jnp.float32),
        pltpu.VMEM((CHUNK, D), jnp.float32),
        pltpu.VMEM((CHUNK, D), jnp.float32),
        pltpu.SemaphoreType.DMA,
        pltpu.SemaphoreType.DMA,
    ],
)
def _emb(widx_hbm, pidx_hbm, wtab_hbm, ptab_hbm, out_hbm,
         widx_v, pidx_v, rows0, rows1, prow0, prow1, sem0, sem1):
    cid = lax.axis_index("c")
    sid = lax.axis_index("s")
    wid = sid * NC + cid

    rows = (rows0, rows1)
    prow = (prow0, prow1)
    sems = (sem0, sem1)

    pltpu.sync_copy(widx_hbm.at[wid], widx_v)
    pltpu.sync_copy(pidx_hbm.at[wid], pidx_v)

    def fire(c, b):
        for j in range(JSUB):
            pltpu.async_copy(
                wtab_hbm.at[widx_v.at[c * JSUB + j]],
                rows[b].at[pl.ds(j * G, G)],
                sems[b],
            )
            pltpu.async_copy(
                ptab_hbm.at[pidx_v.at[c * JSUB + j]],
                prow[b].at[pl.ds(j * G, G)],
                sems[b],
            )

    def drain(b):
        for j in range(JSUB):
            pltpu.make_async_copy(
                wtab_hbm.at[widx_v.at[j]],
                rows[b].at[pl.ds(j * G, G)],
                sems[b],
            ).wait()
            pltpu.make_async_copy(
                ptab_hbm.at[pidx_v.at[j]],
                prow[b].at[pl.ds(j * G, G)],
                sems[b],
            ).wait()

    def add(b):
        def add_body(r, _):
            for rr in range(2):
                for v in range(D // 16):
                    sl = pl.ds(v * 16, 16)
                    plsc.addupdate(rows[b].at[2 * r + rr, sl], prow[b][2 * r + rr, sl])
            return 0

        lax.fori_loop(0, CHUNK // 2, add_body, 0)

    def writeback(c, b):
        pltpu.sync_copy(rows[b], out_hbm.at[pl.ds(wid * PER_W + c * CHUNK, CHUNK)])

    fire(0, 0)

    def loop_body(i, _):
        cbase = 2 * i
        for b in range(2):
            c = cbase + b
            fire(c + 1, 1 - b)
            drain(b)
            add(b)
            writeback(c, b)
        return 0

    lax.fori_loop(0, (NCHUNK - 2) // 2, loop_body, 0)

    fire(NCHUNK - 1, 1)
    drain(0)
    add(0)
    writeback(NCHUNK - 2, 0)
    drain(1)
    add(1)
    writeback(NCHUNK - 1, 1)


def kernel(input_ids, position_ids, word_embeddings, position_embeddings):
    widx = input_ids.reshape(NW, PER_W // G, G)
    pidx = position_ids.reshape(NW, PER_W // G, G)
    out = _emb(widx, pidx, word_embeddings, position_embeddings)
    return out.reshape(B, S, D)

# --- scband reference (transcript-rebuilt; emitter-appended) ---
"""Pipeline reference for scband-custom-embedding-11879879544106 (READ-ONLY COPY).

The authoritative reference and input builder live on the scoring server;
editing this copy changes nothing except your own understanding.
"""

import jax, jax.numpy as jnp
import numpy as np

VOCAB_SIZE = 1000000
HIDDEN_SIZE = 64
MAX_POS = 200 + 1  # module adds 1 internally
BATCH = 1024
SEQ = 200


def positional_encoding(n_pos, dim):
    position_enc = np.array(
        [[pos / np.power(10000, 2 * (j // 2) / dim) for j in range(dim)] for pos in range(n_pos)]
    )
    position_enc[:, 0::2] = np.sin(position_enc[:, 0::2])
    position_enc[:, 1::2] = np.cos(position_enc[:, 1::2])
    return position_enc.astype(np.float32)


def setup_inputs(seed: int = 0) -> dict:
    key = jax.random.key(seed)
    k1, k2, k3 = jax.random.split(key, 3)
    input_ids = jax.random.randint(k1, (BATCH, SEQ), 0, VOCAB_SIZE).astype(jnp.int32)
    position_ids = jax.random.randint(k2, (BATCH, SEQ), 0, MAX_POS).astype(jnp.int32)
    # trainable word embedding table, TruncatedNormal(stddev=0.02)
    word_embeddings = (jax.random.truncated_normal(k3, -2.0, 2.0, (VOCAB_SIZE, HIDDEN_SIZE), dtype=jnp.float32) * 0.02)
    # frozen sinusoidal positional table
    position_embeddings = jnp.asarray(positional_encoding(MAX_POS, HIDDEN_SIZE))
    return {
        "input_ids": input_ids,
        "position_ids": position_ids,
        "word_embeddings": word_embeddings,
        "position_embeddings": position_embeddings,
    }


def reference(input_ids, position_ids, word_embeddings, position_embeddings):
    inputs_embeds = jnp.take(word_embeddings, input_ids, axis=0)
    pos_embeds = jnp.take(position_embeddings, position_ids, axis=0)
    embeddings = inputs_embeds + pos_embeds
    return embeddings

if __name__ == "__main__":
    import jax
    _d = setup_inputs()
    print(jax.jit(kernel)(*tuple(_d.values())))

</pallas_src>

<mosaic_0001>
#map = affine_map<(d0, d1) -> (0, 0, 0)>
#map1 = affine_map<(d0, d1) -> (0, 0)>
module attributes {stable_mosaic.version = 14 : i64} {
  func.func @_emb(%arg0: i32, %arg1: i32, %arg2: memref<32x80x80xi32, #tpu.memory_space<hbm>>, %arg3: memref<32x80x80xi32, #tpu.memory_space<hbm>>, %arg4: memref<1000000x64xf32, #tpu.memory_space<hbm>>, %arg5: memref<201x64xf32, #tpu.memory_space<hbm>>, %arg6: memref<204800x64xf32, #tpu.memory_space<hbm>>, %arg7: memref<80x80xi32, #tpu.memory_space<vmem>>, %arg8: memref<80x80xi32, #tpu.memory_space<vmem>>, %arg9: memref<320x64xf32, #tpu.memory_space<vmem>>, %arg10: memref<320x64xf32, #tpu.memory_space<vmem>>, %arg11: memref<320x64xf32, #tpu.memory_space<vmem>>, %arg12: memref<320x64xf32, #tpu.memory_space<vmem>>, %arg13: memref<!tpu.dma_semaphore, #tpu.memory_space<semaphore_mem>>, %arg14: memref<!tpu.dma_semaphore, #tpu.memory_space<semaphore_mem>>) attributes {dimension_semantics = [#tpu.dimension_semantics<core_parallel>, #tpu.dimension_semantics<subcore_parallel>], iteration_bounds = array<i64: 2, 16>, scalar_prefetch = 0 : i64, scratch_operands = 8 : i64, tpu.core_type = #tpu.core_type<sc_vector_subcore>, window_params = [{transform_indices = #map}, {transform_indices = #map}, {transform_indices = #map1}, {transform_indices = #map1}, {transform_indices = #map1}]} {
    %mul3A = arith.constant 2 : i32
    %mul3A_0 = arith.muli %arg1, %mul3A : i32
    %add3A = arith.addi %mul3A_0, %arg0 : i32
    "tpu.region"() ({
      %run_scoped3A = tpu.sem_alloc : memref<!tpu.dma_semaphore, #tpu.memory_space<semaphore_mem>>
      %dma_start3A_347 = arith.constant 0 : i32
      %dma_start3A_348 = arith.constant 0 : i32
      %dma_start3A_349 = tpu.memref_slice %arg2[%add3A, %dma_start3A_347, %dma_start3A_348] : memref<32x80x80xi32, #tpu.memory_space<hbm>> -> memref<1x80x80xi32, #tpu.memory_space<hbm>>
      %dma_start3A_350 = tpu.memref_squeeze %dma_start3A_349 : memref<1x80x80xi32, #tpu.memory_space<hbm>> -> memref<80x80xi32, #tpu.memory_space<hbm>>
      %dma_start3A_351 = arith.constant 0 : i32
      %dma_start3A_352 = arith.constant 0 : i32
      %dma_start3A_353 = tpu.memref_slice %arg2[%add3A, %dma_start3A_351, %dma_start3A_352] : memref<32x80x80xi32, #tpu.memory_space<hbm>> -> memref<1x80x80xi32, #tpu.memory_space<hbm>>
      %dma_start3A_354 = tpu.memref_squeeze %dma_start3A_353 : memref<1x80x80xi32, #tpu.memory_space<hbm>> -> memref<80x80xi32, #tpu.memory_space<hbm>>
      tpu.enqueue_dma source(%dma_start3A_354 : memref<80x80xi32, #tpu.memory_space<hbm>>) target(%arg7 : memref<80x80xi32, #tpu.memory_space<vmem>>) target_semaphore(%run_scoped3A : memref<!tpu.dma_semaphore, #tpu.memory_space<semaphore_mem>>)
      %dma_wait3A_355 = arith.constant 0 : i32
      %dma_wait3A_356 = arith.constant 0 : i32
      %dma_wait3A_357 = tpu.memref_slice %arg2[%add3A, %dma_wait3A_355, %dma_wait3A_356] : memref<32x80x80xi32, #tpu.memory_space<hbm>> -> memref<1x80x80xi32, #tpu.memory_space<hbm>>
      %dma_wait3A_358 = tpu.memref_squeeze %dma_wait3A_357 : memref<1x80x80xi32, #tpu.memory_space<hbm>> -> memref<80x80xi32, #tpu.memory_space<hbm>>
      %dma_wait3A_359 = arith.constant 0 : i32
      %dma_wait3A_360 = arith.constant 0 : i32
      %dma_wait3A_361 = tpu.memref_slice %arg2[%add3A, %dma_wait3A_359, %dma_wait3A_360] : memref<32x80x80xi32, #tpu.memory_space<hbm>> -> memref<1x80x80xi32, #tpu.memory_space<hbm>>
      %dma_wait3A_362 = tpu.memref_squeeze %dma_wait3A_361 : memref<1x80x80xi32, #tpu.memory_space<hbm>> -> memref<80x80xi32, #tpu.memory_space<hbm>>
      tpu.wait_dma2 semaphore(%run_scoped3A : memref<!tpu.dma_semaphore, #tpu.memory_space<semaphore_mem>>) src(%dma_wait3A_362 : memref<80x80xi32, #tpu.memory_space<hbm>>) dst(%arg7 : memref<80x80xi32, #tpu.memory_space<vmem>>)
      tpu.yield
    }) : () -> ()
    "tpu.region"() ({
      %run_scoped3A = tpu.sem_alloc : memref<!tpu.dma_semaphore, #tpu.memory_space<semaphore_mem>>
      %dma_start3A_347 = arith.constant 0 : i32
      %dma_start3A_348 = arith.constant 0 : i32
      %dma_start3A_349 = tpu.memref_slice %arg3[%add3A, %dma_start3A_347, %dma_start3A_348] : memref<32x80x80xi32, #tpu.memory_space<hbm>> -> memref<1x80x80xi32, #tpu.memory_space<hbm>>
      %dma_start3A_350 = tpu.memref_squeeze %dma_start3A_349 : memref<1x80x80xi32, #tpu.memory_space<hbm>> -> memref<80x80xi32, #tpu.memory_space<hbm>>
      %dma_start3A_351 = arith.constant 0 : i32
      %dma_start3A_352 = arith.constant 0 : i32
      %dma_start3A_353 = tpu.memref_slice %arg3[%add3A, %dma_start3A_351, %dma_start3A_352] : memref<32x80x80xi32, #tpu.memory_space<hbm>> -> memref<1x80x80xi32, #tpu.memory_space<hbm>>
      %dma_start3A_354 = tpu.memref_squeeze %dma_start3A_353 : memref<1x80x80xi32, #tpu.memory_space<hbm>> -> memref<80x80xi32, #tpu.memory_space<hbm>>
      tpu.enqueue_dma source(%dma_start3A_354 : memref<80x80xi32, #tpu.memory_space<hbm>>) target(%arg8 : memref<80x80xi32, #tpu.memory_space<vmem>>) target_semaphore(%run_scoped3A : memref<!tpu.dma_semaphore, #tpu.memory_space<semaphore_mem>>)
      %dma_wait3A_355 = arith.constant 0 : i32
      %dma_wait3A_356 = arith.constant 0 : i32
      %dma_wait3A_357 = tpu.memref_slice %arg3[%add3A, %dma_wait3A_355, %dma_wait3A_356] : memref<32x80x80xi32, #tpu.memory_space<hbm>> -> memref<1x80x80xi32, #tpu.memory_space<hbm>>
      %dma_wait3A_358 = tpu.memref_squeeze %dma_wait3A_357 : memref<1x80x80xi32, #tpu.memory_space<hbm>> -> memref<80x80xi32, #tpu.memory_space<hbm>>
      %dma_wait3A_359 = arith.constant 0 : i32
      %dma_wait3A_360 = arith.constant 0 : i32
      %dma_wait3A_361 = tpu.memref_slice %arg3[%add3A, %dma_wait3A_359, %dma_wait3A_360] : memref<32x80x80xi32, #tpu.memory_space<hbm>> -> memref<1x80x80xi32, #tpu.memory_space<hbm>>
      %dma_wait3A_362 = tpu.memref_squeeze %dma_wait3A_361 : memref<1x80x80xi32, #tpu.memory_space<hbm>> -> memref<80x80xi32, #tpu.memory_space<hbm>>
      tpu.wait_dma2 semaphore(%run_scoped3A : memref<!tpu.dma_semaphore, #tpu.memory_space<semaphore_mem>>) src(%dma_wait3A_362 : memref<80x80xi32, #tpu.memory_space<hbm>>) dst(%arg8 : memref<80x80xi32, #tpu.memory_space<vmem>>)
      tpu.yield
    }) : () -> ()
    %dma_start3A = arith.constant 0 : i32
    %dma_start3A_1 = arith.constant 0 : i32
    %dma_start3A_2 = arith.constant 0 : i32
    %dma_start3A_3 = tpu.memref_slice %arg9[%dma_start3A_1, %dma_start3A_2] : memref<320x64xf32, #tpu.memory_space<vmem>> -> memref<80x64xf32, #tpu.memory_space<vmem>>
    %dma_start3A_4 = arith.constant 0 : i32
    %dma_start3A_5 = tpu.memref_slice %arg7[%dma_start3A, %dma_start3A_4] : memref<80x80xi32, #tpu.memory_space<vmem>> -> memref<1x80xi32, #tpu.memory_space<vmem>>
    %dma_start3A_6 = tpu.memref_squeeze %dma_start3A_5 : memref<1x80xi32, #tpu.memory_space<vmem>> -> memref<80xi32, #tpu.memory_space<vmem>>
    %dma_start3A_7 = arith.constant 0 : i32
    %dma_start3A_8 = arith.constant 0 : i32
    %dma_start3A_9 = tpu.memref_slice %arg4[%dma_start3A_7, %dma_start3A_8] : memref<1000000x64xf32, #tpu.memory_space<hbm>> -> memref<1000000x64xf32, #tpu.memory_space<hbm>>
    tpu.enqueue_indirect_dma source(%dma_start3A_9 : memref<1000000x64xf32, #tpu.memory_space<hbm>>) target(%dma_start3A_3 : memref<80x64xf32, #tpu.memory_space<vmem>>) offsets(%dma_start3A_6 : memref<80xi32, #tpu.memory_space<vmem>>) semaphore(%arg13 : memref<!tpu.dma_semaphore, #tpu.memory_space<semaphore_mem>>)
    %dma_start3A_10 = arith.constant 0 : i32
    %dma_start3A_11 = arith.constant 0 : i32
    %dma_start3A_12 = arith.constant 0 : i32
    %dma_start3A_13 = tpu.memref_slice %arg11[%dma_start3A_11, %dma_start3A_12] : memref<320x64xf32, #tpu.memory_space<vmem>> -> memref<80x64xf32, #tpu.memory_space<vmem>>
    %dma_start3A_14 = arith.constant 0 : i32
    %dma_start3A_15 = tpu.memref_slice %arg8[%dma_start3A_10, %dma_start3A_14] : memref<80x80xi32, #tpu.memory_space<vmem>> -> memref<1x80xi32, #tpu.memory_space<vmem>>
    %dma_start3A_16 = tpu.memref_squeeze %dma_start3A_15 : memref<1x80xi32, #tpu.memory_space<vmem>> -> memref<80xi32, #tpu.memory_space<vmem>>
    %dma_start3A_17 = arith.constant 0 : i32
    %dma_start3A_18 = arith.constant 0 : i32
    %dma_start3A_19 = tpu.memref_slice %arg5[%dma_start3A_17, %dma_start3A_18] : memref<201x64xf32, #tpu.memory_space<hbm>> -> memref<201x64xf32, #tpu.memory_space<hbm>>
    tpu.enqueue_indirect_dma source(%dma_start3A_19 : memref<201x64xf32, #tpu.memory_space<hbm>>) target(%dma_start3A_13 : memref<80x64xf32, #tpu.memory_space<vmem>>) offsets(%dma_start3A_16 : memref<80xi32, #tpu.memory_space<vmem>>) semaphore(%arg13 : memref<!tpu.dma_semaphore, #tpu.memory_space<semaphore_mem>>)
    %dma_start3A_20 = arith.constant 1 : i32
    %dma_start3A_21 = arith.constant 80 : i32
    %dma_start3A_22 = arith.constant 0 : i32
    %dma_start3A_23 = tpu.memref_slice %arg9[%dma_start3A_21, %dma_start3A_22] : memref<320x64xf32, #tpu.memory_space<vmem>> -> memref<80x64xf32, #tpu.memory_space<vmem>>
    %dma_start3A_24 = arith.constant 0 : i32
    %dma_start3A_25 = tpu.memref_slice %arg7[%dma_start3A_20, %dma_start3A_24] : memref<80x80xi32, #tpu.memory_space<vmem>> -> memref<1x80xi32, #tpu.memory_space<vmem>>
    %dma_start3A_26 = tpu.memref_squeeze %dma_start3A_25 : memref<1x80xi32, #tpu.memory_space<vmem>> -> memref<80xi32, #tpu.memory_space<vmem>>
    %dma_start3A_27 = arith.constant 0 : i32
    %dma_start3A_28 = arith.constant 0 : i32
    %dma_start3A_29 = tpu.memref_slice %arg4[%dma_start3A_27, %dma_start3A_28] : memref<1000000x64xf32, #tpu.memory_space<hbm>> -> memref<1000000x64xf32, #tpu.memory_space<hbm>>
    tpu.enqueue_indirect_dma source(%dma_start3A_29 : memref<1000000x64xf32, #tpu.memory_space<hbm>>) target(%dma_start3A_23 : memref<80x64xf32, #tpu.memory_space<vmem>>) offsets(%dma_start3A_26 : memref<80xi32, #tpu.memory_space<vmem>>) semaphore(%arg13 : memref<!tpu.dma_semaphore, #tpu.memory_space<semaphore_mem>>)
    %dma_start3A_30 = arith.constant 1 : i32
    %dma_start3A_31 = arith.constant 80 : i32
    %dma_start3A_32 = arith.constant 0 : i32
    %dma_start3A_33 = tpu.memref_slice %arg11[%dma_start3A_31, %dma_start3A_32] : memref<320x64xf32, #tpu.memory_space<vmem>> -> memref<80x64xf32, #tpu.memory_space<vmem>>
    %dma_start3A_34 = arith.constant 0 : i32
    %dma_start3A_35 = tpu.memref_slice %arg8[%dma_start3A_30, %dma_start3A_34] : memref<80x80xi32, #tpu.memory_space<vmem>> -> memref<1x80xi32, #tpu.memory_space<vmem>>
    %dma_start3A_36 = tpu.memref_squeeze %dma_start3A_35 : memref<1x80xi32, #tpu.memory_space<vmem>> -> memref<80xi32, #tpu.memory_space<vmem>>
    %dma_start3A_37 = arith.constant 0 : i32
    %dma_start3A_38 = arith.constant 0 : i32
    %dma_start3A_39 = tpu.memref_slice %arg5[%dma_start3A_37, %dma_start3A_38] : memref<201x64xf32, #tpu.memory_space<hbm>> -> memref<201x64xf32, #tpu.memory_space<hbm>>
    tpu.enqueue_indirect_dma source(%dma_start3A_39 : memref<201x64xf32, #tpu.memory_space<hbm>>) target(%dma_start3A_33 : memref<80x64xf32, #tpu.memory_space<vmem>>) offsets(%dma_start3A_36 : memref<80xi32, #tpu.memory_space<vmem>>) semaphore(%arg13 : memref<!tpu.dma_semaphore, #tpu.memory_space<semaphore_mem>>)
    %dma_start3A_40 = arith.constant 2 : i32
    %dma_start3A_41 = arith.constant 160 : i32
    %dma_start3A_42 = arith.constant 0 : i32
    %dma_start3A_43 = tpu.memref_slice %arg9[%dma_start3A_41, %dma_start3A_42] : memref<320x64xf32, #tpu.memory_space<vmem>> -> memref<80x64xf32, #tpu.memory_space<vmem>>
    %dma_start3A_44 = arith.constant 0 : i32
    %dma_start3A_45 = tpu.memref_slice %arg7[%dma_start3A_40, %dma_start3A_44] : memref<80x80xi32, #tpu.memory_space<vmem>> -> memref<1x80xi32, #tpu.memory_space<vmem>>
    %dma_start3A_46 = tpu.memref_squeeze %dma_start3A_45 : memref<1x80xi32, #tpu.memory_space<vmem>> -> memref<80xi32, #tpu.memory_space<vmem>>
    %dma_start3A_47 = arith.constant 0 : i32
    %dma_start3A_48 = arith.constant 0 : i32
    %dma_start3A_49 = tpu.memref_slice %arg4[%dma_start3A_47, %dma_start3A_48] : memref<1000000x64xf32, #tpu.memory_space<hbm>> -> memref<1000000x64xf32, #tpu.memory_space<hbm>>
    tpu.enqueue_indirect_dma source(%dma_start3A_49 : memref<1000000x64xf32, #tpu.memory_space<hbm>>) target(%dma_start3A_43 : memref<80x64xf32, #tpu.memory_space<vmem>>) offsets(%dma_start3A_46 : memref<80xi32, #tpu.memory_space<vmem>>) semaphore(%arg13 : memref<!tpu.dma_semaphore, #tpu.memory_space<semaphore_mem>>)
    %dma_start3A_50 = arith.constant 2 : i32
    %dma_start3A_51 = arith.constant 160 : i32
    %dma_start3A_52 = arith.constant 0 : i32
    %dma_start3A_53 = tpu.memref_slice %arg11[%dma_start3A_51, %dma_start3A_52] : memref<320x64xf32, #tpu.memory_space<vmem>> -> memref<80x64xf32, #tpu.memory_space<vmem>>
    %dma_start3A_54 = arith.constant 0 : i32
    %dma_start3A_55 = tpu.memref_slice %arg8[%dma_start3A_50, %dma_start3A_54] : memref<80x80xi32, #tpu.memory_space<vmem>> -> memref<1x80xi32, #tpu.memory_space<vmem>>
    %dma_start3A_56 = tpu.memref_squeeze %dma_start3A_55 : memref<1x80xi32, #tpu.memory_space<vmem>> -> memref<80xi32, #tpu.memory_space<vmem>>
    %dma_start3A_57 = arith.constant 0 : i32
    %dma_start3A_58 = arith.constant 0 : i32
    %dma_start3A_59 = tpu.memref_slice %arg5[%dma_start3A_57, %dma_start3A_58] : memref<201x64xf32, #tpu.memory_space<hbm>> -> memref<201x64xf32, #tpu.memory_space<hbm>>
    tpu.enqueue_indirect_dma source(%dma_start3A_59 : memref<201x64xf32, #tpu.memory_space<hbm>>) target(%dma_start3A_53 : memref<80x64xf32, #tpu.memory_space<vmem>>) offsets(%dma_start3A_56 : memref<80xi32, #tpu.memory_space<vmem>>) semaphore(%arg13 : memref<!tpu.dma_semaphore, #tpu.memory_space<semaphore_mem>>)
    %dma_start3A_60 = arith.constant 3 : i32
    %dma_start3A_61 = arith.constant 240 : i32
    %dma_start3A_62 = arith.constant 0 : i32
    %dma_start3A_63 = tpu.memref_slice %arg9[%dma_start3A_61, %dma_start3A_62] : memref<320x64xf32, #tpu.memory_space<vmem>> -> memref<80x64xf32, #tpu.memory_space<vmem>>
    %dma_start3A_64 = arith.constant 0 : i32
    %dma_start3A_65 = tpu.memref_slice %arg7[%dma_start3A_60, %dma_start3A_64] : memref<80x80xi32, #tpu.memory_space<vmem>> -> memref<1x80xi32, #tpu.memory_space<vmem>>
    %dma_start3A_66 = tpu.memref_squeeze %dma_start3A_65 : memref<1x80xi32, #tpu.memory_space<vmem>> -> memref<80xi32, #tpu.memory_space<vmem>>
    %dma_start3A_67 = arith.constant 0 : i32
    %dma_start3A_68 = arith.constant 0 : i32
    %dma_start3A_69 = tpu.memref_slice %arg4[%dma_start3A_67, %dma_start3A_68] : memref<1000000x64xf32, #tpu.memory_space<hbm>> -> memref<1000000x64xf32, #tpu.memory_space<hbm>>
    tpu.enqueue_indirect_dma source(%dma_start3A_69 : memref<1000000x64xf32, #tpu.memory_space<hbm>>) target(%dma_start3A_63 : memref<80x64xf32, #tpu.memory_space<vmem>>) offsets(%dma_start3A_66 : memref<80xi32, #tpu.memory_space<vmem>>) semaphore(%arg13 : memref<!tpu.dma_semaphore, #tpu.memory_space<semaphore_mem>>)
    %dma_start3A_70 = arith.constant 3 : i32
    %dma_start3A_71 = arith.constant 240 : i32
    %dma_start3A_72 = arith.constant 0 : i32
    %dma_start3A_73 = tpu.memref_slice %arg11[%dma_start3A_71, %dma_start3A_72] : memref<320x64xf32, #tpu.memory_space<vmem>> -> memref<80x64xf32, #tpu.memory_space<vmem>>
    %dma_start3A_74 = arith.constant 0 : i32
    %dma_start3A_75 = tpu.memref_slice %arg8[%dma_start3A_70, %dma_start3A_74] : memref<80x80xi32, #tpu.memory_space<vmem>> -> memref<1x80xi32, #tpu.memory_space<vmem>>
    %dma_start3A_76 = tpu.memref_squeeze %dma_start3A_75 : memref<1x80xi32, #tpu.memory_space<vmem>> -> memref<80xi32, #tpu.memory_space<vmem>>
    %dma_start3A_77 = arith.constant 0 : i32
    %dma_start3A_78 = arith.constant 0 : i32
    %dma_start3A_79 = tpu.memref_slice %arg5[%dma_start3A_77, %dma_start3A_78] : memref<201x64xf32, #tpu.memory_space<hbm>> -> memref<201x64xf32, #tpu.memory_space<hbm>>
    tpu.enqueue_indirect_dma source(%dma_start3A_79 : memref<201x64xf32, #tpu.memory_space<hbm>>) target(%dma_start3A_73 : memref<80x64xf32, #tpu.memory_space<vmem>>) offsets(%dma_start3A_76 : memref<80xi32, #tpu.memory_space<vmem>>) semaphore(%arg13 : memref<!tpu.dma_semaphore, #tpu.memory_space<semaphore_mem>>)
    %scan3A = arith.constant 0 : i32
    %scan3A_80 = arith.constant 0 : i32
    %scan3A_81 = arith.constant 9 : i32
    %scan3A_82 = arith.addi %scan3A_80, %scan3A_81 : i32
    %scan3A_83 = arith.constant 1 : i32
    %scan3A_84 = scf.for %scan3A_347 = %scan3A_80 to %scan3A_82 step %scan3A_83 iter_args(%scan3A_348 = %scan3A) -> (i32)  : i32 {
      %mul3A_349 = arith.constant 2 : i32
      %mul3A_350 = arith.muli %mul3A_349, %scan3A_347 : i32
      %add3A_351 = arith.constant 0 : i32
      %add3A_352 = arith.addi %mul3A_350, %add3A_351 : i32
      %add3A_353 = arith.constant 1 : i32
      %add3A_354 = arith.addi %add3A_352, %add3A_353 : i32
      %mul3A_355 = arith.constant 4 : i32
      %mul3A_356 = arith.muli %add3A_354, %mul3A_355 : i32
      %add3A_357 = arith.constant 0 : i32
      %add3A_358 = arith.addi %mul3A_356, %add3A_357 : i32
      %dma_start3A_359 = arith.constant 0 : i32
      %dma_start3A_360 = arith.constant 0 : i32
      %dma_start3A_361 = tpu.memref_slice %arg10[%dma_start3A_359, %dma_start3A_360] : memref<320x64xf32, #tpu.memory_space<vmem>> -> memref<80x64xf32, #tpu.memory_space<vmem>>
      %dma_start3A_362 = arith.constant 0 : i32
      %dma_start3A_363 = tpu.memref_slice %arg7[%add3A_358, %dma_start3A_362] : memref<80x80xi32, #tpu.memory_space<vmem>> -> memref<1x80xi32, #tpu.memory_space<vmem>>
      %dma_start3A_364 = tpu.memref_squeeze %dma_start3A_363 : memref<1x80xi32, #tpu.memory_space<vmem>> -> memref<80xi32, #tpu.memory_space<vmem>>
      %dma_start3A_365 = arith.constant 0 : i32
      %dma_start3A_366 = arith.constant 0 : i32
      %dma_start3A_367 = tpu.memref_slice %arg4[%dma_start3A_365, %dma_start3A_366] : memref<1000000x64xf32, #tpu.memory_space<hbm>> -> memref<1000000x64xf32, #tpu.memory_space<hbm>>
      tpu.enqueue_indirect_dma source(%dma_start3A_367 : memref<1000000x64xf32, #tpu.memory_space<hbm>>) target(%dma_start3A_361 : memref<80x64xf32, #tpu.memory_space<vmem>>) offsets(%dma_start3A_364 : memref<80xi32, #tpu.memory_space<vmem>>) semaphore(%arg14 : memref<!tpu.dma_semaphore, #tpu.memory_space<semaphore_mem>>)
      %mul3A_368 = arith.constant 4 : i32
      %mul3A_369 = arith.muli %add3A_354, %mul3A_368 : i32
      %add3A_370 = arith.constant 0 : i32
      %add3A_371 = arith.addi %mul3A_369, %add3A_370 : i32
      %dma_start3A_372 = arith.constant 0 : i32
      %dma_start3A_373 = arith.constant 0 : i32
      %dma_start3A_374 = tpu.memref_slice %arg12[%dma_start3A_372, %dma_start3A_373] : memref<320x64xf32, #tpu.memory_space<vmem>> -> memref<80x64xf32, #tpu.memory_space<vmem>>
      %dma_start3A_375 = arith.constant 0 : i32
      %dma_start3A_376 = tpu.memref_slice %arg8[%add3A_371, %dma_start3A_375] : memref<80x80xi32, #tpu.memory_space<vmem>> -> memref<1x80xi32, #tpu.memory_space<vmem>>
      %dma_start3A_377 = tpu.memref_squeeze %dma_start3A_376 : memref<1x80xi32, #tpu.memory_space<vmem>> -> memref<80xi32, #tpu.memory_space<vmem>>
      %dma_start3A_378 = arith.constant 0 : i32
      %dma_start3A_379 = arith.constant 0 : i32
      %dma_start3A_380 = tpu.memref_slice %arg5[%dma_start3A_378, %dma_start3A_379] : memref<201x64xf32, #tpu.memory_space<hbm>> -> memref<201x64xf32, #tpu.memory_space<hbm>>
      tpu.enqueue_indirect_dma source(%dma_start3A_380 : memref<201x64xf32, #tpu.memory_space<hbm>>) target(%dma_start3A_374 : memref<80x64xf32, #tpu.memory_space<vmem>>) offsets(%dma_start3A_377 : memref<80xi32, #tpu.memory_space<vmem>>) semaphore(%arg14 : memref<!tpu.dma_semaphore, #tpu.memory_space<semaphore_mem>>)
      %mul3A_381 = arith.constant 4 : i32
      %mul3A_382 = arith.muli %add3A_354, %mul3A_381 : i32
      %add3A_383 = arith.constant 1 : i32
      %add3A_384 = arith.addi %mul3A_382, %add3A_383 : i32
      %dma_start3A_385 = arith.constant 80 : i32
      %dma_start3A_386 = arith.constant 0 : i32
      %dma_start3A_387 = tpu.memref_slice %arg10[%dma_start3A_385, %dma_start3A_386] : memref<320x64xf32, #tpu.memory_space<vmem>> -> memref<80x64xf32, #tpu.memory_space<vmem>>
      %dma_start3A_388 = arith.constant 0 : i32
      %dma_start3A_389 = tpu.memref_slice %arg7[%add3A_384, %dma_start3A_388] : memref<80x80xi32, #tpu.memory_space<vmem>> -> memref<1x80xi32, #tpu.memory_space<vmem>>
      %dma_start3A_390 = tpu.memref_squeeze %dma_start3A_389 : memref<1x80xi32, #tpu.memory_space<vmem>> -> memref<80xi32, #tpu.memory_space<vmem>>
      %dma_start3A_391 = arith.constant 0 : i32
      %dma_start3A_392 = arith.constant 0 : i32
      %dma_start3A_393 = tpu.memref_slice %arg4[%dma_start3A_391, %dma_start3A_392] : memref<1000000x64xf32, #tpu.memory_space<hbm>> -> memref<1000000x64xf32, #tpu.memory_space<hbm>>
      tpu.enqueue_indirect_dma source(%dma_start3A_393 : memref<1000000x64xf32, #tpu.memory_space<hbm>>) target(%dma_start3A_387 : memref<80x64xf32, #tpu.memory_space<vmem>>) offsets(%dma_start3A_390 : memref<80xi32, #tpu.memory_space<vmem>>) semaphore(%arg14 : memref<!tpu.dma_semaphore, #tpu.memory_space<semaphore_mem>>)
      %mul3A_394 = arith.constant 4 : i32
      %mul3A_395 = arith.muli %add3A_354, %mul3A_394 : i32
      %add3A_396 = arith.constant 1 : i32
      %add3A_397 = arith.addi %mul3A_395, %add3A_396 : i32
      %dma_start3A_398 = arith.constant 80 : i32
      %dma_start3A_399 = arith.constant 0 : i32
      %dma_start3A_400 = tpu.memref_slice %arg12[%dma_start3A_398, %dma_start3A_399] : memref<320x64xf32, #tpu.memory_space<vmem>> -> memref<80x64xf32, #tpu.memory_space<vmem>>
      %dma_start3A_401 = arith.constant 0 : i32
      %dma_start3A_402 = tpu.memref_slice %arg8[%add3A_397, %dma_start3A_401] : memref<80x80xi32, #tpu.memory_space<vmem>> -> memref<1x80xi32, #tpu.memory_space<vmem>>
      %dma_start3A_403 = tpu.memref_squeeze %dma_start3A_402 : memref<1x80xi32, #tpu.memory_space<vmem>> -> memref<80xi32, #tpu.memory_space<vmem>>
      %dma_start3A_404 = arith.constant 0 : i32
      %dma_start3A_405 = arith.constant 0 : i32
      %dma_start3A_406 = tpu.memref_slice %arg5[%dma_start3A_404, %dma_start3A_405] : memref<201x64xf32, #tpu.memory_space<hbm>> -> memref<201x64xf32, #tpu.memory_space<hbm>>
      tpu.enqueue_indirect_dma source(%dma_start3A_406 : memref<201x64xf32, #tpu.memory_space<hbm>>) target(%dma_start3A_400 : memref<80x64xf32, #tpu.memory_space<vmem>>) offsets(%dma_start3A_403 : memref<80xi32, #tpu.memory_space<vmem>>) semaphore(%arg14 : memref<!tpu.dma_semaphore, #tpu.memory_space<semaphore_mem>>)
      %mul3A_407 = arith.constant 4 : i32
      %mul3A_408 = arith.muli %add3A_354, %mul3A_407 : i32
      %add3A_409 = arith.constant 2 : i32
      %add3A_410 = arith.addi %mul3A_408, %add3A_409 : i32
      %dma_start3A_411 = arith.constant 160 : i32
      %dma_start3A_412 = arith.constant 0 : i32
      %dma_start3A_413 = tpu.memref_slice %arg10[%dma_start3A_411, %dma_start3A_412] : memref<320x64xf32, #tpu.memory_space<vmem>> -> memref<80x64xf32, #tpu.memory_space<vmem>>
      %dma_start3A_414 = arith.constant 0 : i32
      %dma_start3A_415 = tpu.memref_slice %arg7[%add3A_410, %dma_start3A_414] : memref<80x80xi32, #tpu.memory_space<vmem>> -> memref<1x80xi32, #tpu.memory_space<vmem>>
      %dma_start3A_416 = tpu.memref_squeeze %dma_start3A_415 : memref<1x80xi32, #tpu.memory_space<vmem>> -> memref<80xi32, #tpu.memory_space<vmem>>
      %dma_start3A_417 = arith.constant 0 : i32
      %dma_start3A_418 = arith.constant 0 : i32
      %dma_start3A_419 = tpu.memref_slice %arg4[%dma_start3A_417, %dma_start3A_418] : memref<1000000x64xf32, #tpu.memory_space<hbm>> -> memref<1000000x64xf32, #tpu.memory_space<hbm>>
      tpu.enqueue_indirect_dma source(%dma_start3A_419 : memref<1000000x64xf32, #tpu.memory_space<hbm>>) target(%dma_start3A_413 : memref<80x64xf32, #tpu.memory_space<vmem>>) offsets(%dma_start3A_416 : memref<80xi32, #tpu.memory_space<vmem>>) semaphore(%arg14 : memref<!tpu.dma_semaphore, #tpu.memory_space<semaphore_mem>>)
      %mul3A_420 = arith.constant 4 : i32
      %mul3A_421 = arith.muli %add3A_354, %mul3A_420 : i32
      %add3A_422 = arith.constant 2 : i32
      %add3A_423 = arith.addi %mul3A_421, %add3A_422 : i32
      %dma_start3A_424 = arith.constant 160 : i32
      %dma_start3A_425 = arith.constant 0 : i32
      %dma_start3A_426 = tpu.memref_slice %arg12[%dma_start3A_424, %dma_start3A_425] : memref<320x64xf32, #tpu.memory_space<vmem>> -> memref<80x64xf32, #tpu.memory_space<vmem>>
      %dma_start3A_427 = arith.constant 0 : i32
      %dma_start3A_428 = tpu.memref_slice %arg8[%add3A_423, %dma_start3A_427] : memref<80x80xi32, #tpu.memory_space<vmem>> -> memref<1x80xi32, #tpu.memory_space<vmem>>
      %dma_start3A_429 = tpu.memref_squeeze %dma_start3A_428 : memref<1x80xi32, #tpu.memory_space<vmem>> -> memref<80xi32, #tpu.memory_space<vmem>>
      %dma_start3A_430 = arith.constant 0 : i32
      %dma_start3A_431 = arith.constant 0 : i32
      %dma_start3A_432 = tpu.memref_slice %arg5[%dma_start3A_430, %dma_start3A_431] : memref<201x64xf32, #tpu.memory_space<hbm>> -> memref<201x64xf32, #tpu.memory_space<hbm>>
      tpu.enqueue_indirect_dma source(%dma_start3A_432 : memref<201x64xf32, #tpu.memory_space<hbm>>) target(%dma_start3A_426 : memref<80x64xf32, #tpu.memory_space<vmem>>) offsets(%dma_start3A_429 : memref<80xi32, #tpu.memory_space<vmem>>) semaphore(%arg14 : memref<!tpu.dma_semaphore, #tpu.memory_space<semaphore_mem>>)
      %mul3A_433 = arith.constant 4 : i32
      %mul3A_434 = arith.muli %add3A_354, %mul3A_433 : i32
      %add3A_435 = arith.constant 3 : i32
      %add3A_436 = arith.addi %mul3A_434, %add3A_435 : i32
      %dma_start3A_437 = arith.constant 240 : i32
      %dma_start3A_438 = arith.constant 0 : i32
      %dma_start3A_439 = tpu.memref_slice %arg10[%dma_start3A_437, %dma_start3A_438] : memref<320x64xf32, #tpu.memory_space<vmem>> -> memref<80x64xf32, #tpu.memory_space<vmem>>
      %dma_start3A_440 = arith.constant 0 : i32
      %dma_start3A_441 = tpu.memref_slice %arg7[%add3A_436, %dma_start3A_440] : memref<80x80xi32, #tpu.memory_space<vmem>> -> memref<1x80xi32, #tpu.memory_space<vmem>>
      %dma_start3A_442 = tpu.memref_squeeze %dma_start3A_441 : memref<1x80xi32, #tpu.memory_space<vmem>> -> memref<80xi32, #tpu.memory_space<vmem>>
      %dma_start3A_443 = arith.constant 0 : i32
      %dma_start3A_444 = arith.constant 0 : i32
      %dma_start3A_445 = tpu.memref_slice %arg4[%dma_start3A_443, %dma_start3A_444] : memref<1000000x64xf32, #tpu.memory_space<hbm>> -> memref<1000000x64xf32, #tpu.memory_space<hbm>>
      tpu.enqueue_indirect_dma source(%dma_start3A_445 : memref<1000000x64xf32, #tpu.memory_space<hbm>>) target(%dma_start3A_439 : memref<80x64xf32, #tpu.memory_space<vmem>>) offsets(%dma_start3A_442 : memref<80xi32, #tpu.memory_space<vmem>>) semaphore(%arg14 : memref<!tpu.dma_semaphore, #tpu.memory_space<semaphore_mem>>)
      %mul3A_446 = arith.constant 4 : i32
      %mul3A_447 = arith.muli %add3A_354, %mul3A_446 : i32
      %add3A_448 = arith.constant 3 : i32
      %add3A_449 = arith.addi %mul3A_447, %add3A_448 : i32
      %dma_start3A_450 = arith.constant 240 : i32
      %dma_start3A_451 = arith.constant 0 : i32
      %dma_start3A_452 = tpu.memref_slice %arg12[%dma_start3A_450, %dma_start3A_451] : memref<320x64xf32, #tpu.memory_space<vmem>> -> memref<80x64xf32, #tpu.memory_space<vmem>>
      %dma_start3A_453 = arith.constant 0 : i32
      %dma_start3A_454 = tpu.memref_slice %arg8[%add3A_449, %dma_start3A_453] : memref<80x80xi32, #tpu.memory_space<vmem>> -> memref<1x80xi32, #tpu.memory_space<vmem>>
      %dma_start3A_455 = tpu.memref_squeeze %dma_start3A_454 : memref<1x80xi32, #tpu.memory_space<vmem>> -> memref<80xi32, #tpu.memory_space<vmem>>
      %dma_start3A_456 = arith.constant 0 : i32
      %dma_start3A_457 = arith.constant 0 : i32
      %dma_start3A_458 = tpu.memref_slice %arg5[%dma_start3A_456, %dma_start3A_457] : memref<201x64xf32, #tpu.memory_space<hbm>> -> memref<201x64xf32, #tpu.memory_space<hbm>>
      tpu.enqueue_indirect_dma source(%dma_start3A_458 : memref<201x64xf32, #tpu.memory_space<hbm>>) target(%dma_start3A_452 : memref<80x64xf32, #tpu.memory_space<vmem>>) offsets(%dma_start3A_455 : memref<80xi32, #tpu.memory_space<vmem>>) semaphore(%arg14 : memref<!tpu.dma_semaphore, #tpu.memory_space<semaphore_mem>>)
      %dma_wait3A_459 = arith.constant 0 : i32
      %dma_wait3A_460 = arith.constant 0 : i32
      %dma_wait3A_461 = arith.constant 0 : i32
      %dma_wait3A_462 = tpu.memref_slice %arg9[%dma_wait3A_460, %dma_wait3A_461] : memref<320x64xf32, #tpu.memory_space<vmem>> -> memref<80x64xf32, #tpu.memory_space<vmem>>
      %dma_wait3A_463 = arith.constant 0 : i32
      %dma_wait3A_464 = tpu.memref_slice %arg7[%dma_wait3A_459, %dma_wait3A_463] : memref<80x80xi32, #tpu.memory_space<vmem>> -> memref<1x80xi32, #tpu.memory_space<vmem>>
      %dma_wait3A_465 = tpu.memref_squeeze %dma_wait3A_464 : memref<1x80xi32, #tpu.memory_space<vmem>> -> memref<80xi32, #tpu.memory_space<vmem>>
      %dma_wait3A_466 = arith.constant 0 : i32
      %dma_wait3A_467 = arith.constant 0 : i32
      %dma_wait3A_468 = tpu.memref_slice %arg4[%dma_wait3A_466, %dma_wait3A_467] : memref<1000000x64xf32, #tpu.memory_space<hbm>> -> memref<1000000x64xf32, #tpu.memory_space<hbm>>
      tpu.wait_indirect_dma semaphore(%arg13 : memref<!tpu.dma_semaphore, #tpu.memory_space<semaphore_mem>>) src(%dma_wait3A_468 : memref<1000000x64xf32, #tpu.memory_space<hbm>>) dst(%dma_wait3A_462 : memref<80x64xf32, #tpu.memory_space<vmem>>)
      %dma_wait3A_469 = arith.constant 0 : i32
      %dma_wait3A_470 = arith.constant 0 : i32
      %dma_wait3A_471 = arith.constant 0 : i32
      %dma_wait3A_472 = tpu.memref_slice %arg11[%dma_wait3A_470, %dma_wait3A_471] : memref<320x64xf32, #tpu.memory_space<vmem>> -> memref<80x64xf32, #tpu.memory_space<vmem>>
      %dma_wait3A_473 = arith.constant 0 : i32
      %dma_wait3A_474 = tpu.memref_slice %arg8[%dma_wait3A_469, %dma_wait3A_473] : memref<80x80xi32, #tpu.memory_space<vmem>> -> memref<1x80xi32, #tpu.memory_space<vmem>>
      %dma_wait3A_475 = tpu.memref_squeeze %dma_wait3A_474 : memref<1x80xi32, #tpu.memory_space<vmem>> -> memref<80xi32, #tpu.memory_space<vmem>>
      %dma_wait3A_476 = arith.constant 0 : i32
      %dma_wait3A_477 = arith.constant 0 : i32
      %dma_wait3A_478 = tpu.memref_slice %arg5[%dma_wait3A_476, %dma_wait3A_477] : memref<201x64xf32, #tpu.memory_space<hbm>> -> memref<201x64xf32, #tpu.memory_space<hbm>>
      tpu.wait_indirect_dma semaphore(%arg13 : memref<!tpu.dma_semaphore, #tpu.memory_space<semaphore_mem>>) src(%dma_wait3A_478 : memref<201x64xf32, #tpu.memory_space<hbm>>) dst(%dma_wait3A_472 : memref<80x64xf32, #tpu.memory_space<vmem>>)
      %dma_wait3A_479 = arith.constant 1 : i32
      %dma_wait3A_480 = arith.constant 80 : i32
      %dma_wait3A_481 = arith.constant 0 : i32
      %dma_wait3A_482 = tpu.memref_slice %arg9[%dma_wait3A_480, %dma_wait3A_481] : memref<320x64xf32, #tpu.memory_space<vmem>> -> memref<80x64xf32, #tpu.memory_space<vmem>>
      %dma_wait3A_483 = arith.constant 0 : i32
      %dma_wait3A_484 = tpu.memref_slice %arg7[%dma_wait3A_479, %dma_wait3A_483] : memref<80x80xi32, #tpu.memory_space<vmem>> -> memref<1x80xi32, #tpu.memory_space<vmem>>
      %dma_wait3A_485 = tpu.memref_squeeze %dma_wait3A_484 : memref<1x80xi32, #tpu.memory_space<vmem>> -> memref<80xi32, #tpu.memory_space<vmem>>
      %dma_wait3A_486 = arith.constant 0 : i32
      %dma_wait3A_487 = arith.constant 0 : i32
      %dma_wait3A_488 = tpu.memref_slice %arg4[%dma_wait3A_486, %dma_wait3A_487] : memref<1000000x64xf32, #tpu.memory_space<hbm>> -> memref<1000000x64xf32, #tpu.memory_space<hbm>>
      tpu.wait_indirect_dma semaphore(%arg13 : memref<!tpu.dma_semaphore, #tpu.memory_space<semaphore_mem>>) src(%dma_wait3A_488 : memref<1000000x64xf32, #tpu.memory_space<hbm>>) dst(%dma_wait3A_482 : memref<80x64xf32, #tpu.memory_space<vmem>>)
      %dma_wait3A_489 = arith.constant 1 : i32
      %dma_wait3A_490 = arith.constant 80 : i32
      %dma_wait3A_491 = arith.constant 0 : i32
      %dma_wait3A_492 = tpu.memref_slice %arg11[%dma_wait3A_490, %dma_wait3A_491] : memref<320x64xf32, #tpu.memory_space<vmem>> -> memref<80x64xf32, #tpu.memory_space<vmem>>
      %dma_wait3A_493 = arith.constant 0 : i32
      %dma_wait3A_494 = tpu.memref_slice %arg8[%dma_wait3A_489, %dma_wait3A_493] : memref<80x80xi32, #tpu.memory_space<vmem>> -> memref<1x80xi32, #tpu.memory_space<vmem>>
      %dma_wait3A_495 = tpu.memref_squeeze %dma_wait3A_494 : memref<1x80xi32, #tpu.memory_space<vmem>> -> memref<80xi32, #tpu.memory_space<vmem>>
      %dma_wait3A_496 = arith.constant 0 : i32
      %dma_wait3A_497 = arith.constant 0 : i32
      %dma_wait3A_498 = tpu.memref_slice %arg5[%dma_wait3A_496, %dma_wait3A_497] : memref<201x64xf32, #tpu.memory_space<hbm>> -> memref<201x64xf32, #tpu.memory_space<hbm>>
      tpu.wait_indirect_dma semaphore(%arg13 : memref<!tpu.dma_semaphore, #tpu.memory_space<semaphore_mem>>) src(%dma_wait3A_498 : memref<201x64xf32, #tpu.memory_space<hbm>>) dst(%dma_wait3A_492 : memref<80x64xf32, #tpu.memory_space<vmem>>)
      %dma_wait3A_499 = arith.constant 2 : i32
      %dma_wait3A_500 = arith.constant 160 : i32
      %dma_wait3A_501 = arith.constant 0 : i32
      %dma_wait3A_502 = tpu.memref_slice %arg9[%dma_wait3A_500, %dma_wait3A_501] : memref<320x64xf32, #tpu.memory_space<vmem>> -> memref<80x64xf32, #tpu.memory_space<vmem>>
      %dma_wait3A_503 = arith.constant 0 : i32
      %dma_wait3A_504 = tpu.memref_slice %arg7[%dma_wait3A_499, %dma_wait3A_503] : memref<80x80xi32, #tpu.memory_space<vmem>> -> memref<1x80xi32, #tpu.memory_space<vmem>>
      %dma_wait3A_505 = tpu.memref_squeeze %dma_wait3A_504 : memref<1x80xi32, #tpu.memory_space<vmem>> -> memref<80xi32, #tpu.memory_space<vmem>>
      %dma_wait3A_506 = arith.constant 0 : i32
      %dma_wait3A_507 = arith.constant 0 : i32
      %dma_wait3A_508 = tpu.memref_slice %arg4[%dma_wait3A_506, %dma_wait3A_507] : memref<1000000x64xf32, #tpu.memory_space<hbm>> -> memref<1000000x64xf32, #tpu.memory_space<hbm>>
      tpu.wait_indirect_dma semaphore(%arg13 : memref<!tpu.dma_semaphore, #tpu.memory_space<semaphore_mem>>) src(%dma_wait3A_508 : memref<1000000x64xf32, #tpu.memory_space<hbm>>) dst(%dma_wait3A_502 : memref<80x64xf32, #tpu.memory_space<vmem>>)
      %dma_wait3A_509 = arith.constant 2 : i32
      %dma_wait3A_510 = arith.constant 160 : i32
      %dma_wait3A_511 = arith.constant 0 : i32
      %dma_wait3A_512 = tpu.memref_slice %arg11[%dma_wait3A_510, %dma_wait3A_511] : memref<320x64xf32, #tpu.memory_space<vmem>> -> memref<80x64xf32, #tpu.memory_space<vmem>>
      %dma_wait3A_513 = arith.constant 0 : i32
      %dma_wait3A_514 = tpu.memref_slice %arg8[%dma_wait3A_509, %dma_wait3A_513] : memref<80x80xi32, #tpu.memory_space<vmem>> -> memref<1x80xi32, #tpu.memory_space<vmem>>
      %dma_wait3A_515 = tpu.memref_squeeze %dma_wait3A_514 : memref<1x80xi32, #tpu.memory_space<vmem>> -> memref<80xi32, #tpu.memory_space<vmem>>
      %dma_wait3A_516 = arith.constant 0 : i32
      %dma_wait3A_517 = arith.constant 0 : i32
      %dma_wait3A_518 = tpu.memref_slice %arg5[%dma_wait3A_516, %dma_wait3A_517] : memref<201x64xf32, #tpu.memory_space<hbm>> -> memref<201x64xf32, #tpu.memory_space<hbm>>
      tpu.wait_indirect_dma semaphore(%arg13 : memref<!tpu.dma_semaphore, #tpu.memory_space<semaphore_mem>>) src(%dma_wait3A_518 : memref<201x64xf32, #tpu.memory_space<hbm>>) dst(%dma_wait3A_512 : memref<80x64xf32, #tpu.memory_space<vmem>>)
      %dma_wait3A_519 = arith.constant 3 : i32
      %dma_wait3A_520 = arith.constant 240 : i32
      %dma_wait3A_521 = arith.constant 0 : i32
      %dma_wait3A_522 = tpu.memref_slice %arg9[%dma_wait3A_520, %dma_wait3A_521] : memref<320x64xf32, #tpu.memory_space<vmem>> -> memref<80x64xf32, #tpu.memory_space<vmem>>
      %dma_wait3A_523 = arith.constant 0 : i32
      %dma_wait3A_524 = tpu.memref_slice %arg7[%dma_wait3A_519, %dma_wait3A_523] : memref<80x80xi32, #tpu.memory_space<vmem>> -> memref<1x80xi32, #tpu.memory_space<vmem>>
      %dma_wait3A_525 = tpu.memref_squeeze %dma_wait3A_524 : memref<1x80xi32, #tpu.memory_space<vmem>> -> memref<80xi32, #tpu.memory_space<vmem>>
      %dma_wait3A_526 = arith.constant 0 : i32
      %dma_wait3A_527 = arith.constant 0 : i32
      %dma_wait3A_528 = tpu.memref_slice %arg4[%dma_wait3A_526, %dma_wait3A_527] : memref<1000000x64xf32, #tpu.memory_space<hbm>> -> memref<1000000x64xf32, #tpu.memory_space<hbm>>
      tpu.wait_indirect_dma semaphore(%arg13 : memref<!tpu.dma_semaphore, #tpu.memory_space<semaphore_mem>>) src(%dma_wait3A_528 : memref<1000000x64xf32, #tpu.memory_space<hbm>>) dst(%dma_wait3A_522 : memref<80x64xf32, #tpu.memory_space<vmem>>)
      %dma_wait3A_529 = arith.constant 3 : i32
      %dma_wait3A_530 = arith.constant 240 : i32
      %dma_wait3A_531 = arith.constant 0 : i32
      %dma_wait3A_532 = tpu.memref_slice %arg11[%dma_wait3A_530, %dma_wait3A_531] : memref<320x64xf32, #tpu.memory_space<vmem>> -> memref<80x64xf32, #tpu.memory_space<vmem>>
      %dma_wait3A_533 = arith.constant 0 : i32
      %dma_wait3A_534 = tpu.memref_slice %arg8[%dma_wait3A_529, %dma_wait3A_533] : memref<80x80xi32, #tpu.memory_space<vmem>> -> memref<1x80xi32, #tpu.memory_space<vmem>>
      %dma_wait3A_535 = tpu.memref_squeeze %dma_wait3A_534 : memref<1x80xi32, #tpu.memory_space<vmem>> -> memref<80xi32, #tpu.memory_space<vmem>>
      %dma_wait3A_536 = arith.constant 0 : i32
      %dma_wait3A_537 = arith.constant 0 : i32
      %dma_wait3A_538 = tpu.memref_slice %arg5[%dma_wait3A_536, %dma_wait3A_537] : memref<201x64xf32, #tpu.memory_space<hbm>> -> memref<201x64xf32, #tpu.memory_space<hbm>>
      tpu.wait_indirect_dma semaphore(%arg13 : memref<!tpu.dma_semaphore, #tpu.memory_space<semaphore_mem>>) src(%dma_wait3A_538 : memref<201x64xf32, #tpu.memory_space<hbm>>) dst(%dma_wait3A_532 : memref<80x64xf32, #tpu.memory_space<vmem>>)
      %scan3A_539 = arith.constant 0 : i32
      %scan3A_540 = arith.constant 0 : i32
      %scan3A_541 = arith.constant 160 : i32
      %scan3A_542 = arith.addi %scan3A_540, %scan3A_541 : i32
      %scan3A_543 = arith.constant 1 : i32
      %scan3A_544 = scf.for %scan3A_752 = %scan3A_540 to %scan3A_542 step %scan3A_543 iter_args(%scan3A_753 = %scan3A_539) -> (i32)  : i32 {
        %mul3A_754 = arith.constant 2 : i32
        %mul3A_755 = arith.muli %mul3A_754, %scan3A_752 : i32
        %add3A_756 = arith.constant 0 : i32
        %add3A_757 = arith.addi %mul3A_755, %add3A_756 : i32
        %mul3A_758 = arith.constant 2 : i32
        %mul3A_759 = arith.muli %mul3A_758, %scan3A_752 : i32
        %add3A_760 = arith.constant 0 : i32
        %add3A_761 = arith.addi %mul3A_759, %add3A_760 : i32
        %get3A = arith.index_cast %add3A_761 : i32 to index
        %get3A_762 = arith.constant 0 : index
        %get3A_763 = tpu.vector_load %arg11[%get3A, %get3A_762] {strides = array<i32>} : memref<320x64xf32, #tpu.memory_space<vmem>>, vector<1x16xf32>,
        %get3A_764 = vector.shape_cast %get3A_763 : vector<1x16xf32> to vector<16xf32>
        %swap3A = arith.index_cast %add3A_757 : i32 to index
        %swap3A_765 = arith.constant 0 : index
        %swap3A_766 = tpu.vector_load %arg9[%swap3A, %swap3A_765] {strides = array<i32>} : memref<320x64xf32, #tpu.memory_space<vmem>>, vector<1x16xf32>,
        %swap3A_767 = vector.shape_cast %swap3A_766 : vector<1x16xf32> to vector<16xf32>
        %swap3A_768 = vector.shape_cast %get3A_764 : vector<16xf32> to vector<1x16xf32>
        tpu.vector_store %arg9[%swap3A, %swap3A_765], %swap3A_768 {add = true, strides = array<i32>} : memref<320x64xf32, #tpu.memory_space<vmem>>, vector<1x16xf32>,
        %mul3A_769 = arith.constant 2 : i32
        %mul3A_770 = arith.muli %mul3A_769, %scan3A_752 : i32
        %add3A_771 = arith.constant 0 : i32
        %add3A_772 = arith.addi %mul3A_770, %add3A_771 : i32
        %mul3A_773 = arith.constant 2 : i32
        %mul3A_774 = arith.muli %mul3A_773, %scan3A_752 : i32
        %add3A_775 = arith.constant 0 : i32
        %add3A_776 = arith.addi %mul3A_774, %add3A_775 : i32
        %get3A_777 = arith.index_cast %add3A_776 : i32 to index
        %get3A_778 = arith.constant 16 : index
        %get3A_779 = tpu.vector_load %arg11[%get3A_777, %get3A_778] {strides = array<i32>} : memref<320x64xf32, #tpu.memory_space<vmem>>, vector<1x16xf32>,
        %get3A_780 = vector.shape_cast %get3A_779 : vector<1x16xf32> to vector<16xf32>
        %swap3A_781 = arith.index_cast %add3A_772 : i32 to index
        %swap3A_782 = arith.constant 16 : index
        %swap3A_783 = tpu.vector_load %arg9[%swap3A_781, %swap3A_782] {strides = array<i32>} : memref<320x64xf32, #tpu.memory_space<vmem>>, vector<1x16xf32>,
        %swap3A_784 = vector.shape_cast %swap3A_783 : vector<1x16xf32> to vector<16xf32>
        %swap3A_785 = vector.shape_cast %get3A_780 : vector<16xf32> to vector<1x16xf32>
        tpu.vector_store %arg9[%swap3A_781, %swap3A_782], %swap3A_785 {add = true, strides = array<i32>} : memref<320x64xf32, #tpu.memory_space<vmem>>, vector<1x16xf32>,
        %mul3A_786 = arith.constant 2 : i32
        %mul3A_787 = arith.muli %mul3A_786, %scan3A_752 : i32
        %add3A_788 = arith.constant 0 : i32
        %add3A_789 = arith.addi %mul3A_787, %add3A_788 : i32
        %mul3A_790 = arith.constant 2 : i32
        %mul3A_791 = arith.muli %mul3A_790, %scan3A_752 : i32
        %add3A_792 = arith.constant 0 : i32
        %add3A_793 = arith.addi %mul3A_791, %add3A_792 : i32
        %get3A_794 = arith.index_cast %add3A_793 : i32 to index
        %get3A_795 = arith.constant 32 : index
        %get3A_796 = tpu.vector_load %arg11[%get3A_794, %get3A_795] {strides = array<i32>} : memref<320x64xf32, #tpu.memory_space<vmem>>, vector<1x16xf32>,
        %get3A_797 = vector.shape_cast %get3A_796 : vector<1x16xf32> to vector<16xf32>
        %swap3A_798 = arith.index_cast %add3A_789 : i32 to index
        %swap3A_799 = arith.constant 32 : index
        %swap3A_800 = tpu.vector_load %arg9[%swap3A_798, %swap3A_799] {strides = array<i32>} : memref<320x64xf32, #tpu.memory_space<vmem>>, vector<1x16xf32>,
        %swap3A_801 = vector.shape_cast %swap3A_800 : vector<1x16xf32> to vector<16xf32>
        %swap3A_802 = vector.shape_cast %get3A_797 : vector<16xf32> to vector<1x16xf32>
        tpu.vector_store %arg9[%swap3A_798, %swap3A_799], %swap3A_802 {add = true, strides = array<i32>} : memref<320x64xf32, #tpu.memory_space<vmem>>, vector<1x16xf32>,
        %mul3A_803 = arith.constant 2 : i32
        %mul3A_804 = arith.muli %mul3A_803, %scan3A_752 : i32
        %add3A_805 = arith.constant 0 : i32
        %add3A_806 = arith.addi %mul3A_804, %add3A_805 : i32
        %mul3A_807 = arith.constant 2 : i32
        %mul3A_808 = arith.muli %mul3A_807, %scan3A_752 : i32
        %add3A_809 = arith.constant 0 : i32
        %add3A_810 = arith.addi %mul3A_808, %add3A_809 : i32
        %get3A_811 = arith.index_cast %add3A_810 : i32 to index
        %get3A_812 = arith.constant 48 : index
        %get3A_813 = tpu.vector_load %arg11[%get3A_811, %get3A_812] {strides = array<i32>} : memref<320x64xf32, #tpu.memory_space<vmem>>, vector<1x16xf32>,
        %get3A_814 = vector.shape_cast %get3A_813 : vector<1x16xf32> to vector<16xf32>
        %swap3A_815 = arith.index_cast %add3A_806 : i32 to index
        %swap3A_816 = arith.constant 48 : index
        %swap3A_817 = tpu.vector_load %arg9[%swap3A_815, %swap3A_816] {strides = array<i32>} : memref<320x64xf32, #tpu.memory_space<vmem>>, vector<1x16xf32>,
        %swap3A_818 = vector.shape_cast %swap3A_817 : vector<1x16xf32> to vector<16xf32>
        %swap3A_819 = vector.shape_cast %get3A_814 : vector<16xf32> to vector<1x16xf32>
        tpu.vector_store %arg9[%swap3A_815, %swap3A_816], %swap3A_819 {add = true, strides = array<i32>} : memref<320x64xf32, #tpu.memory_space<vmem>>, vector<1x16xf32>,
        %mul3A_820 = arith.constant 2 : i32
        %mul3A_821 = arith.muli %mul3A_820, %scan3A_752 : i32
        %add3A_822 = arith.constant 1 : i32
        %add3A_823 = arith.addi %mul3A_821, %add3A_822 : i32
        %mul3A_824 = arith.constant 2 : i32
        %mul3A_825 = arith.muli %mul3A_824, %scan3A_752 : i32
        %add3A_826 = arith.constant 1 : i32
        %add3A_827 = arith.addi %mul3A_825, %add3A_826 : i32
        %get3A_828 = arith.index_cast %add3A_827 : i32 to index
        %get3A_829 = arith.constant 0 : index
        %get3A_830 = tpu.vector_load %arg11[%get3A_828, %get3A_829] {strides = array<i32>} : memref<320x64xf32, #tpu.memory_space<vmem>>, vector<1x16xf32>,
        %get3A_831 = vector.shape_cast %get3A_830 : vector<1x16xf32> to vector<16xf32>
        %swap3A_832 = arith.index_cast %add3A_823 : i32 to index
        %swap3A_833 = arith.constant 0 : index
        %swap3A_834 = tpu.vector_load %arg9[%swap3A_832, %swap3A_833] {strides = array<i32>} : memref<320x64xf32, #tpu.memory_space<vmem>>, vector<1x16xf32>,
        %swap3A_835 = vector.shape_cast %swap3A_834 : vector<1x16xf32> to vector<16xf32>
        %swap3A_836 = vector.shape_cast %get3A_831 : vector<16xf32> to vector<1x16xf32>
        tpu.vector_store %arg9[%swap3A_832, %swap3A_833], %swap3A_836 {add = true, strides = array<i32>} : memref<320x64xf32, #tpu.memory_space<vmem>>, vector<1x16xf32>,
        %mul3A_837 = arith.constant 2 : i32
        %mul3A_838 = arith.muli %mul3A_837, %scan3A_752 : i32
        %add3A_839 = arith.constant 1 : i32
        %add3A_840 = arith.addi %mul3A_838, %add3A_839 : i32
        %mul3A_841 = arith.constant 2 : i32
        %mul3A_842 = arith.muli %mul3A_841, %scan3A_752 : i32
        %add3A_843 = arith.constant 1 : i32
        %add3A_844 = arith.addi %mul3A_842, %add3A_843 : i32
        %get3A_845 = arith.index_cast %add3A_844 : i32 to index
        %get3A_846 = arith.constant 16 : index
        %get3A_847 = tpu.vector_load %arg11[%get3A_845, %get3A_846] {strides = array<i32>} : memref<320x64xf32, #tpu.memory_space<vmem>>, vector<1x16xf32>,
        %get3A_848 = vector.shape_cast %get3A_847 : vector<1x16xf32> to vector<16xf32>
        %swap3A_849 = arith.index_cast %add3A_840 : i32 to index
        %swap3A_850 = arith.constant 16 : index
        %swap3A_851 = tpu.vector_load %arg9[%swap3A_849, %swap3A_850] {strides = array<i32>} : memref<320x64xf32, #tpu.memory_space<vmem>>, vector<1x16xf32>,
        %swap3A_852 = vector.shape_cast %swap3A_851 : vector<1x16xf32> to vector<16xf32>
        %swap3A_853 = vector.shape_cast %get3A_848 : vector<16xf32> to vector<1x16xf32>
        tpu.vector_store %arg9[%swap3A_849, %swap3A_850], %swap3A_853 {add = true, strides = array<i32>} : memref<320x64xf32, #tpu.memory_space<vmem>>, vector<1x16xf32>,
        %mul3A_854 = arith.constant 2 : i32
        %mul3A_855 = arith.muli %mul3A_854, %scan3A_752 : i32
        %add3A_856 = arith.constant 1 : i32
        %add3A_857 = arith.addi %mul3A_855, %add3A_856 : i32
        %mul3A_858 = arith.constant 2 : i32
        %mul3A_859 = arith.muli %mul3A_858, %scan3A_752 : i32
        %add3A_860 = arith.constant 1 : i32
        %add3A_861 = arith.addi %mul3A_859, %add3A_860 : i32
        %get3A_862 = arith.index_cast %add3A_861 : i32 to index
        %get3A_863 = arith.constant 32 : index
        %get3A_864 = tpu.vector_load %arg11[%get3A_862, %get3A_863] {strides = array<i32>} : memref<320x64xf32, #tpu.memory_space<vmem>>, vector<1x16xf32>,
        %get3A_865 = vector.shape_cast %get3A_864 : vector<1x16xf32> to vector<16xf32>
        %swap3A_866 = arith.index_cast %add3A_857 : i32 to index
        %swap3A_867 = arith.constant 32 : index
        %swap3A_868 = tpu.vector_load %arg9[%swap3A_866, %swap3A_867] {strides = array<i32>} : memref<320x64xf32, #tpu.memory_space<vmem>>, vector<1x16xf32>,
        %swap3A_869 = vector.shape_cast %swap3A_868 : vector<1x16xf32> to vector<16xf32>
        %swap3A_870 = vector.shape_cast %get3A_865 : vector<16xf32> to vector<1x16xf32>
        tpu.vector_store %arg9[%swap3A_866, %swap3A_867], %swap3A_870 {add = true, strides = array<i32>} : memref<320x64xf32, #tpu.memory_space<vmem>>, vector<1x16xf32>,
        %mul3A_871 = arith.constant 2 : i32
        %mul3A_872 = arith.muli %mul3A_871, %scan3A_752 : i32
        %add3A_873 = arith.constant 1 : i32
        %add3A_874 = arith.addi %mul3A_872, %add3A_873 : i32
        %mul3A_875 = arith.constant 2 : i32
        %mul3A_876 = arith.muli %mul3A_875, %scan3A_752 : i32
        %add3A_877 = arith.constant 1 : i32
        %add3A_878 = arith.addi %mul3A_876, %add3A_877 : i32
        %get3A_879 = arith.index_cast %add3A_878 : i32 to index
        %get3A_880 = arith.constant 48 : index
        %get3A_881 = tpu.vector_load %arg11[%get3A_879, %get3A_880] {strides = array<i32>} : memref<320x64xf32, #tpu.memory_space<vmem>>, vector<1x16xf32>,
        %get3A_882 = vector.shape_cast %get3A_881 : vector<1x16xf32> to vector<16xf32>
        %swap3A_883 = arith.index_cast %add3A_874 : i32 to index
        %swap3A_884 = arith.constant 48 : index
        %swap3A_885 = tpu.vector_load %arg9[%swap3A_883, %swap3A_884] {strides = array<i32>} : memref<320x64xf32, #tpu.memory_space<vmem>>, vector<1x16xf32>,
        %swap3A_886 = vector.shape_cast %swap3A_885 : vector<1x16xf32> to vector<16xf32>
        %swap3A_887 = vector.shape_cast %get3A_882 : vector<16xf32> to vector<1x16xf32>
        tpu.vector_store %arg9[%swap3A_883, %swap3A_884], %swap3A_887 {add = true, strides = array<i32>} : memref<320x64xf32, #tpu.memory_space<vmem>>, vector<1x16xf32>,
        %scan3A_888 = arith.constant 0 : i32
        scf.yield %scan3A_888 : i32
      }
      %scan3A_545 = arith.constant 160 : i32
      %mul3A_546 = arith.constant 6400 : i32
      %mul3A_547 = arith.muli %add3A, %mul3A_546 : i32
      %mul3A_548 = arith.constant 320 : i32
      %mul3A_549 = arith.muli %add3A_352, %mul3A_548 : i32
      %add3A_550 = arith.addi %mul3A_547, %mul3A_549 : i32
      "tpu.region"() ({
        %run_scoped3A = tpu.sem_alloc : memref<!tpu.dma_semaphore, #tpu.memory_space<semaphore_mem>>
        %dma_start3A_752 = arith.constant 0 : i32
        %dma_start3A_753 = tpu.memref_slice %arg6[%add3A_550, %dma_start3A_752] : memref<204800x64xf32, #tpu.memory_space<hbm>> -> memref<320x64xf32, #tpu.memory_space<hbm>>
        %dma_start3A_754 = arith.constant 0 : i32
        %dma_start3A_755 = tpu.memref_slice %arg6[%add3A_550, %dma_start3A_754] : memref<204800x64xf32, #tpu.memory_space<hbm>> -> memref<320x64xf32, #tpu.memory_space<hbm>>
        tpu.enqueue_dma source(%arg9 : memref<320x64xf32, #tpu.memory_space<vmem>>) target(%dma_start3A_755 : memref<320x64xf32, #tpu.memory_space<hbm>>) target_semaphore(%run_scoped3A : memref<!tpu.dma_semaphore, #tpu.memory_space<semaphore_mem>>)
        %dma_wait3A_756 = arith.constant 0 : i32
        %dma_wait3A_757 = tpu.memref_slice %arg6[%add3A_550, %dma_wait3A_756] : memref<204800x64xf32, #tpu.memory_space<hbm>> -> memref<320x64xf32, #tpu.memory_space<hbm>>
        %dma_wait3A_758 = arith.constant 0 : i32
        %dma_wait3A_759 = tpu.memref_slice %arg6[%add3A_550, %dma_wait3A_758] : memref<204800x64xf32, #tpu.memory_space<hbm>> -> memref<320x64xf32, #tpu.memory_space<hbm>>
        tpu.wait_dma2 semaphore(%run_scoped3A : memref<!tpu.dma_semaphore, #tpu.memory_space<semaphore_mem>>) src(%arg9 : memref<320x64xf32, #tpu.memory_space<vmem>>) dst(%dma_wait3A_759 : memref<320x64xf32, #tpu.memory_space<hbm>>)
        tpu.yield
      }) : () -> ()
      %add3A_551 = arith.constant 1 : i32
      %add3A_552 = arith.addi %mul3A_350, %add3A_551 : i32
      %add3A_553 = arith.constant 1 : i32
      %add3A_554 = arith.addi %add3A_552, %add3A_553 : i32
      %mul3A_555 = arith.constant 4 : i32
      %mul3A_556 = arith.muli %add3A_554, %mul3A_555 : i32
      %add3A_557 = arith.constant 0 : i32
      %add3A_558 = arith.addi %mul3A_556, %add3A_557 : i32
      %dma_start3A_559 = arith.constant 0 : i32
      %dma_start3A_560 = arith.constant 0 : i32
      %dma_start3A_561 = tpu.memref_slice %arg9[%dma_start3A_559, %dma_start3A_560] : memref<320x64xf32, #tpu.memory_space<vmem>> -> memref<80x64xf32, #tpu.memory_space<vmem>>
      %dma_start3A_562 = arith.constant 0 : i32
      %dma_start3A_563 = tpu.memref_slice %arg7[%add3A_558, %dma_start3A_562] : memref<80x80xi32, #tpu.memory_space<vmem>> -> memref<1x80xi32, #tpu.memory_space<vmem>>
      %dma_start3A_564 = tpu.memref_squeeze %dma_start3A_563 : memref<1x80xi32, #tpu.memory_space<vmem>> -> memref<80xi32, #tpu.memory_space<vmem>>
      %dma_start3A_565 = arith.constant 0 : i32
      %dma_start3A_566 = arith.constant 0 : i32
      %dma_start3A_567 = tpu.memref_slice %arg4[%dma_start3A_565, %dma_start3A_566] : memref<1000000x64xf32, #tpu.memory_space<hbm>> -> memref<1000000x64xf32, #tpu.memory_space<hbm>>
      tpu.enqueue_indirect_dma source(%dma_start3A_567 : memref<1000000x64xf32, #tpu.memory_space<hbm>>) target(%dma_start3A_561 : memref<80x64xf32, #tpu.memory_space<vmem>>) offsets(%dma_start3A_564 : memref<80xi32, #tpu.memory_space<vmem>>) semaphore(%arg13 : memref<!tpu.dma_semaphore, #tpu.memory_space<semaphore_mem>>)
      %mul3A_568 = arith.constant 4 : i32
      %mul3A_569 = arith.muli %add3A_554, %mul3A_568 : i32
      %add3A_570 = arith.constant 0 : i32
      %add3A_571 = arith.addi %mul3A_569, %add3A_570 : i32
      %dma_start3A_572 = arith.constant 0 : i32
      %dma_start3A_573 = arith.constant 0 : i32
      %dma_start3A_574 = tpu.memref_slice %arg11[%dma_start3A_572, %dma_start3A_573] : memref<320x64xf32, #tpu.memory_space<vmem>> -> memref<80x64xf32, #tpu.memory_space<vmem>>
      %dma_start3A_575 = arith.constant 0 : i32
      %dma_start3A_576 = tpu.memref_slice %arg8[%add3A_571, %dma_start3A_575] : memref<80x80xi32, #tpu.memory_space<vmem>> -> memref<1x80xi32, #tpu.memory_space<vmem>>
      %dma_start3A_577 = tpu.memref_squeeze %dma_start3A_576 : memref<1x80xi32, #tpu.memory_space<vmem>> -> memref<80xi32, #tpu.memory_space<vmem>>
      %dma_start3A_578 = arith.constant 0 : i32
      %dma_start3A_579 = arith.constant 0 : i32
      %dma_start3A_580 = tpu.memref_slice %arg5[%dma_start3A_578, %dma_start3A_579] : memref<201x64xf32, #tpu.memory_space<hbm>> -> memref<201x64xf32, #tpu.memory_space<hbm>>
      tpu.enqueue_indirect_dma source(%dma_start3A_580 : memref<201x64xf32, #tpu.memory_space<hbm>>) target(%dma_start3A_574 : memref<80x64xf32, #tpu.memory_space<vmem>>) offsets(%dma_start3A_577 : memref<80xi32, #tpu.memory_space<vmem>>) semaphore(%arg13 : memref<!tpu.dma_semaphore, #tpu.memory_space<semaphore_mem>>)
      %mul3A_581 = arith.constant 4 : i32
      %mul3A_582 = arith.muli %add3A_554, %mul3A_581 : i32
      %add3A_583 = arith.constant 1 : i32
      %add3A_584 = arith.addi %mul3A_582, %add3A_583 : i32
      %dma_start3A_585 = arith.constant 80 : i32
      %dma_start3A_586 = arith.constant 0 : i32
      %dma_start3A_587 = tpu.memref_slice %arg9[%dma_start3A_585, %dma_start3A_586] : memref<320x64xf32, #tpu.memory_space<vmem>> -> memref<80x64xf32, #tpu.memory_space<vmem>>
      %dma_start3A_588 = arith.constant 0 : i32
      %dma_start3A_589 = tpu.memref_slice %arg7[%add3A_584, %dma_start3A_588] : memref<80x80xi32, #tpu.memory_space<vmem>> -> memref<1x80xi32, #tpu.memory_space<vmem>>
      %dma_start3A_590 = tpu.memref_squeeze %dma_start3A_589 : memref<1x80xi32, #tpu.memory_space<vmem>> -> memref<80xi32, #tpu.memory_space<vmem>>
      %dma_start3A_591 = arith.constant 0 : i32
      %dma_start3A_592 = arith.constant 0 : i32
      %dma_start3A_593 = tpu.memref_slice %arg4[%dma_start3A_591, %dma_start3A_592] : memref<1000000x64xf32, #tpu.memory_space<hbm>> -> memref<1000000x64xf32, #tpu.memory_space<hbm>>
      tpu.enqueue_indirect_dma source(%dma_start3A_593 : memref<1000000x64xf32, #tpu.memory_space<hbm>>) target(%dma_start3A_587 : memref<80x64xf32, #tpu.memory_space<vmem>>) offsets(%dma_start3A_590 : memref<80xi32, #tpu.memory_space<vmem>>) semaphore(%arg13 : memref<!tpu.dma_semaphore, #tpu.memory_space<semaphore_mem>>)
      %mul3A_594 = arith.constant 4 : i32
      %mul3A_595 = arith.muli %add3A_554, %mul3A_594 : i32
      %add3A_596 = arith.constant 1 : i32
      %add3A_597 = arith.addi %mul3A_595, %add3A_596 : i32
      %dma_start3A_598 = arith.constant 80 : i32
      %dma_start3A_599 = arith.constant 0 : i32
      %dma_start3A_600 = tpu.memref_slice %arg11[%dma_start3A_598, %dma_start3A_599] : memref<320x64xf32, #tpu.memory_space<vmem>> -> memref<80x64xf32, #tpu.memory_space<vmem>>
      %dma_start3A_601 = arith.constant 0 : i32
      %dma_start3A_602 = tpu.memref_slice %arg8[%add3A_597, %dma_start3A_601] : memref<80x80xi32, #tpu.memory_space<vmem>> -> memref<1x80xi32, #tpu.memory_space<vmem>>
      %dma_start3A_603 = tpu.memref_squeeze %dma_start3A_602 : memref<1x80xi32, #tpu.memory_space<vmem>> -> memref<80xi32, #tpu.memory_space<vmem>>
      %dma_start3A_604 = arith.constant 0 : i32
      %dma_start3A_605 = arith.constant 0 : i32
      %dma_start3A_606 = tpu.memref_slice %arg5[%dma_start3A_604, %dma_start3A_605] : memref<201x64xf32, #tpu.memory_space<hbm>> -> memref<201x64xf32, #tpu.memory_space<hbm>>
      tpu.enqueue_indirect_dma source(%dma_start3A_606 : memref<201x64xf32, #tpu.memory_space<hbm>>) target(%dma_start3A_600 : memref<80x64xf32, #tpu.memory_space<vmem>>) offsets(%dma_start3A_603 : memref<80xi32, #tpu.memory_space<vmem>>) semaphore(%arg13 : memref<!tpu.dma_semaphore, #tpu.memory_space<semaphore_mem>>)
      %mul3A_607 = arith.constant 4 : i32
      %mul3A_608 = arith.muli %add3A_554, %mul3A_607 : i32
      %add3A_609 = arith.constant 2 : i32
      %add3A_610 = arith.addi %mul3A_608, %add3A_609 : i32
      %dma_start3A_611 = arith.constant 160 : i32
      %dma_start3A_612 = arith.constant 0 : i32
      %dma_start3A_613 = tpu.memref_slice %arg9[%dma_start3A_611, %dma_start3A_612] : memref<320x64xf32, #tpu.memory_space<vmem>> -> memref<80x64xf32, #tpu.memory_space<vmem>>
      %dma_start3A_614 = arith.constant 0 : i32
      %dma_start3A_615 = tpu.memref_slice %arg7[%add3A_610, %dma_start3A_614] : memref<80x80xi32, #tpu.memory_space<vmem>> -> memref<1x80xi32, #tpu.memory_space<vmem>>
      %dma_start3A_616 = tpu.memref_squeeze %dma_start3A_615 : memref<1x80xi32, #tpu.memory_space<vmem>> -> memref<80xi32, #tpu.memory_space<vmem>>
      %dma_start3A_617 = arith.constant 0 : i32
      %dma_start3A_618 = arith.constant 0 : i32
      %dma_start3A_619 = tpu.memref_slice %arg4[%dma_start3A_617, %dma_start3A_618] : memref<1000000x64xf32, #tpu.memory_space<hbm>> -> memref<1000000x64xf32, #tpu.memory_space<hbm>>
      tpu.enqueue_indirect_dma source(%dma_start3A_619 : memref<1000000x64xf32, #tpu.memory_space<hbm>>) target(%dma_start3A_613 : memref<80x64xf32, #tpu.memory_space<vmem>>) offsets(%dma_start3A_616 : memref<80xi32, #tpu.memory_space<vmem>>) semaphore(%arg13 : memref<!tpu.dma_semaphore, #tpu.memory_space<semaphore_mem>>)
      %mul3A_620 = arith.constant 4 : i32
      %mul3A_621 = arith.muli %add3A_554, %mul3A_620 : i32
      %add3A_622 = arith.constant 2 : i32
      %add3A_623 = arith.addi %mul3A_621, %add3A_622 : i32
      %dma_start3A_624 = arith.constant 160 : i32
      %dma_start3A_625 = arith.constant 0 : i32
      %dma_start3A_626 = tpu.memref_slice %arg11[%dma_start3A_624, %dma_start3A_625] : memref<320x64xf32, #tpu.memory_space<vmem>> -> memref<80x64xf32, #tpu.memory_space<vmem>>
      %dma_start3A_627 = arith.constant 0 : i32
      %dma_start3A_628 = tpu.memref_slice %arg8[%add3A_623, %dma_start3A_627] : memref<80x80xi32, #tpu.memory_space<vmem>> -> memref<1x80xi32, #tpu.memory_space<vmem>>
      %dma_start3A_629 = tpu.memref_squeeze %dma_start3A_628 : memref<1x80xi32, #tpu.memory_space<vmem>> -> memref<80xi32, #tpu.memory_space<vmem>>
      %dma_start3A_630 = arith.constant 0 : i32
      %dma_start3A_631 = arith.constant 0 : i32
      %dma_start3A_632 = tpu.memref_slice %arg5[%dma_start3A_630, %dma_start3A_631] : memref<201x64xf32, #tpu.memory_space<hbm>> -> memref<201x64xf32, #tpu.memory_space<hbm>>
      tpu.enqueue_indirect_dma source(%dma_start3A_632 : memref<201x64xf32, #tpu.memory_space<hbm>>) target(%dma_start3A_626 : memref<80x64xf32, #tpu.memory_space<vmem>>) offsets(%dma_start3A_629 : memref<80xi32, #tpu.memory_space<vmem>>) semaphore(%arg13 : memref<!tpu.dma_semaphore, #tpu.memory_space<semaphore_mem>>)
      %mul3A_633 = arith.constant 4 : i32
      %mul3A_634 = arith.muli %add3A_554, %mul3A_633 : i32
      %add3A_635 = arith.constant 3 : i32
      %add3A_636 = arith.addi %mul3A_634, %add3A_635 : i32
      %dma_start3A_637 = arith.constant 240 : i32
      %dma_start3A_638 = arith.constant 0 : i32
      %dma_start3A_639 = tpu.memref_slice %arg9[%dma_start3A_637, %dma_start3A_638] : memref<320x64xf32, #tpu.memory_space<vmem>> -> memref<80x64xf32, #tpu.memory_space<vmem>>
      %dma_start3A_640 = arith.constant 0 : i32
      %dma_start3A_641 = tpu.memref_slice %arg7[%add3A_636, %dma_start3A_640] : memref<80x80xi32, #tpu.memory_space<vmem>> -> memref<1x80xi32, #tpu.memory_space<vmem>>
      %dma_start3A_642 = tpu.memref_squeeze %dma_start3A_641 : memref<1x80xi32, #tpu.memory_space<vmem>> -> memref<80xi32, #tpu.memory_space<vmem>>
      %dma_start3A_643 = arith.constant 0 : i32
      %dma_start3A_644 = arith.constant 0 : i32
      %dma_start3A_645 = tpu.memref_slice %arg4[%dma_start3A_643, %dma_start3A_644] : memref<1000000x64xf32, #tpu.memory_space<hbm>> -> memref<1000000x64xf32, #tpu.memory_space<hbm>>
      tpu.enqueue_indirect_dma source(%dma_start3A_645 : memref<1000000x64xf32, #tpu.memory_space<hbm>>) target(%dma_start3A_639 : memref<80x64xf32, #tpu.memory_space<vmem>>) offsets(%dma_start3A_642 : memref<80xi32, #tpu.memory_space<vmem>>) semaphore(%arg13 : memref<!tpu.dma_semaphore, #tpu.memory_space<semaphore_mem>>)
      %mul3A_646 = arith.constant 4 : i32
      %mul3A_647 = arith.muli %add3A_554, %mul3A_646 : i32
      %add3A_648 = arith.constant 3 : i32
      %add3A_649 = arith.addi %mul3A_647, %add3A_648 : i32
      %dma_start3A_650 = arith.constant 240 : i32
      %dma_start3A_651 = arith.constant 0 : i32
      %dma_start3A_652 = tpu.memref_slice %arg11[%dma_start3A_650, %dma_start3A_651] : memref<320x64xf32, #tpu.memory_space<vmem>> -> memref<80x64xf32, #tpu.memory_space<vmem>>
      %dma_start3A_653 = arith.constant 0 : i32
      %dma_start3A_654 = tpu.memref_slice %arg8[%add3A_649, %dma_start3A_653] : memref<80x80xi32, #tpu.memory_space<vmem>> -> memref<1x80xi32, #tpu.memory_space<vmem>>
      %dma_start3A_655 = tpu.memref_squeeze %dma_start3A_654 : memref<1x80xi32, #tpu.memory_space<vmem>> -> memref<80xi32, #tpu.memory_space<vmem>>
      %dma_start3A_656 = arith.constant 0 : i32
      %dma_start3A_657 = arith.constant 0 : i32
      %dma_start3A_658 = tpu.memref_slice %arg5[%dma_start3A_656, %dma_start3A_657] : memref<201x64xf32, #tpu.memory_space<hbm>> -> memref<201x64xf32, #tpu.memory_space<hbm>>
      tpu.enqueue_indirect_dma source(%dma_start3A_658 : memref<201x64xf32, #tpu.memory_space<hbm>>) target(%dma_start3A_652 : memref<80x64xf32, #tpu.memory_space<vmem>>) offsets(%dma_start3A_655 : memref<80xi32, #tpu.memory_space<vmem>>) semaphore(%arg13 : memref<!tpu.dma_semaphore, #tpu.memory_space<semaphore_mem>>)
      %dma_wait3A_659 = arith.constant 0 : i32
      %dma_wait3A_660 = arith.constant 0 : i32
      %dma_wait3A_661 = arith.constant 0 : i32
      %dma_wait3A_662 = tpu.memref_slice %arg10[%dma_wait3A_660, %dma_wait3A_661] : memref<320x64xf32, #tpu.memory_space<vmem>> -> memref<80x64xf32, #tpu.memory_space<vmem>>
      %dma_wait3A_663 = arith.constant 0 : i32
      %dma_wait3A_664 = tpu.memref_slice %arg7[%dma_wait3A_659, %dma_wait3A_663] : memref<80x80xi32, #tpu.memory_space<vmem>> -> memref<1x80xi32, #tpu.memory_space<vmem>>
      %dma_wait3A_665 = tpu.memref_squeeze %dma_wait3A_664 : memref<1x80xi32, #tpu.memory_space<vmem>> -> memref<80xi32, #tpu.memory_space<vmem>>
      %dma_wait3A_666 = arith.constant 0 : i32
      %dma_wait3A_667 = arith.constant 0 : i32
      %dma_wait3A_668 = tpu.memref_slice %arg4[%dma_wait3A_666, %dma_wait3A_667] : memref<1000000x64xf32, #tpu.memory_space<hbm>> -> memref<1000000x64xf32, #tpu.memory_space<hbm>>
      tpu.wait_indirect_dma semaphore(%arg14 : memref<!tpu.dma_semaphore, #tpu.memory_space<semaphore_mem>>) src(%dma_wait3A_668 : memref<1000000x64xf32, #tpu.memory_space<hbm>>) dst(%dma_wait3A_662 : memref<80x64xf32, #tpu.memory_space<vmem>>)
      %dma_wait3A_669 = arith.constant 0 : i32
      %dma_wait3A_670 = arith.constant 0 : i32
      %dma_wait3A_671 = arith.constant 0 : i32
      %dma_wait3A_672 = tpu.memref_slice %arg12[%dma_wait3A_670, %dma_wait3A_671] : memref<320x64xf32, #tpu.memory_space<vmem>> -> memref<80x64xf32, #tpu.memory_space<vmem>>
      %dma_wait3A_673 = arith.constant 0 : i32
      %dma_wait3A_674 = tpu.memref_slice %arg8[%dma_wait3A_669, %dma_wait3A_673] : memref<80x80xi32, #tpu.memory_space<vmem>> -> memref<1x80xi32, #tpu.memory_space<vmem>>
      %dma_wait3A_675 = tpu.memref_squeeze %dma_wait3A_674 : memref<1x80xi32, #tpu.memory_space<vmem>> -> memref<80xi32, #tpu.memory_space<vmem>>
      %dma_wait3A_676 = arith.constant 0 : i32
      %dma_wait3A_677 = arith.constant 0 : i32
      %dma_wait3A_678 = tpu.memref_slice %arg5[%dma_wait3A_676, %dma_wait3A_677] : memref<201x64xf32, #tpu.memory_space<hbm>> -> memref<201x64xf32, #tpu.memory_space<hbm>>
      tpu.wait_indirect_dma semaphore(%arg14 : memref<!tpu.dma_semaphore, #tpu.memory_space<semaphore_mem>>) src(%dma_wait3A_678 : memref<201x64xf32, #tpu.memory_space<hbm>>) dst(%dma_wait3A_672 : memref<80x64xf32, #tpu.memory_space<vmem>>)
      %dma_wait3A_679 = arith.constant 1 : i32
      %dma_wait3A_680 = arith.constant 80 : i32
      %dma_wait3A_681 = arith.constant 0 : i32
      %dma_wait3A_682 = tpu.memref_slice %arg10[%dma_wait3A_680, %dma_wait3A_681] : memref<320x64xf32, #tpu.memory_space<vmem>> -> memref<80x64xf32, #tpu.memory_space<vmem>>
      %dma_wait3A_683 = arith.constant 0 : i32
      %dma_wait3A_684 = tpu.memref_slice %arg7[%dma_wait3A_679, %dma_wait3A_683] : memref<80x80xi32, #tpu.memory_space<vmem>> -> memref<1x80xi32, #tpu.memory_space<vmem>>
      %dma_wait3A_685 = tpu.memref_squeeze %dma_wait3A_684 : memref<1x80xi32, #tpu.memory_space<vmem>> -> memref<80xi32, #tpu.memory_space<vmem>>
      %dma_wait3A_686 = arith.constant 0 : i32
      %dma_wait3A_687 = arith.constant 0 : i32
      %dma_wait3A_688 = tpu.memref_slice %arg4[%dma_wait3A_686, %dma_wait3A_687] : memref<1000000x64xf32, #tpu.memory_space<hbm>> -> memref<1000000x64xf32, #tpu.memory_space<hbm>>
      tpu.wait_indirect_dma semaphore(%arg14 : memref<!tpu.dma_semaphore, #tpu.memory_space<semaphore_mem>>) src(%dma_wait3A_688 : memref<1000000x64xf32, #tpu.memory_space<hbm>>) dst(%dma_wait3A_682 : memref<80x64xf32, #tpu.memory_space<vmem>>)
      %dma_wait3A_689 = arith.constant 1 : i32
      %dma_wait3A_690 = arith.constant 80 : i32
      %dma_wait3A_691 = arith.constant 0 : i32
      %dma_wait3A_692 = tpu.memref_slice %arg12[%dma_wait3A_690, %dma_wait3A_691] : memref<320x64xf32, #tpu.memory_space<vmem>> -> memref<80x64xf32, #tpu.memory_space<vmem>>
      %dma_wait3A_693 = arith.constant 0 : i32
      %dma_wait3A_694 = tpu.memref_slice %arg8[%dma_wait3A_689, %dma_wait3A_693] : memref<80x80xi32, #tpu.memory_space<vmem>> -> memref<1x80xi32, #tpu.memory_space<vmem>>
      %dma_wait3A_695 = tpu.memref_squeeze %dma_wait3A_694 : memref<1x80xi32, #tpu.memory_space<vmem>> -> memref<80xi32, #tpu.memory_space<vmem>>
      %dma_wait3A_696 = arith.constant 0 : i32
      %dma_wait3A_697 = arith.constant 0 : i32
      %dma_wait3A_698 = tpu.memref_slice %arg5[%dma_wait3A_696, %dma_wait3A_697] : memref<201x64xf32, #tpu.memory_space<hbm>> -> memref<201x64xf32, #tpu.memory_space<hbm>>
      tpu.wait_indirect_dma semaphore(%arg14 : memref<!tpu.dma_semaphore, #tpu.memory_space<semaphore_mem>>) src(%dma_wait3A_698 : memref<201x64xf32, #tpu.memory_space<hbm>>) dst(%dma_wait3A_692 : memref<80x64xf32, #tpu.memory_space<vmem>>)
      %dma_wait3A_699 = arith.constant 2 : i32
      %dma_wait3A_700 = arith.constant 160 : i32
      %dma_wait3A_701 = arith.constant 0 : i32
      %dma_wait3A_702 = tpu.memref_slice %arg10[%dma_wait3A_700, %dma_wait3A_701] : memref<320x64xf32, #tpu.memory_space<vmem>> -> memref<80x64xf32, #tpu.memory_space<vmem>>
      %dma_wait3A_703 = arith.constant 0 : i32
      %dma_wait3A_704 = tpu.memref_slice %arg7[%dma_wait3A_699, %dma_wait3A_703] : memref<80x80xi32, #tpu.memory_space<vmem>> -> memref<1x80xi32, #tpu.memory_space<vmem>>
      %dma_wait3A_705 = tpu.memref_squeeze %dma_wait3A_704 : memref<1x80xi32, #tpu.memory_space<vmem>> -> memref<80xi32, #tpu.memory_space<vmem>>
      %dma_wait3A_706 = arith.constant 0 : i32
      %dma_wait3A_707 = arith.constant 0 : i32
      %dma_wait3A_708 = tpu.memref_slice %arg4[%dma_wait3A_706, %dma_wait3A_707] : memref<1000000x64xf32, #tpu.memory_space<hbm>> -> memref<1000000x64xf32, #tpu.memory_space<hbm>>
      tpu.wait_indirect_dma semaphore(%arg14 : memref<!tpu.dma_semaphore, #tpu.memory_space<semaphore_mem>>) src(%dma_wait3A_708 : memref<1000000x64xf32, #tpu.memory_space<hbm>>) dst(%dma_wait3A_702 : memref<80x64xf32, #tpu.memory_space<vmem>>)
      %dma_wait3A_709 = arith.constant 2 : i32
      %dma_wait3A_710 = arith.constant 160 : i32
      %dma_wait3A_711 = arith.constant 0 : i32
      %dma_wait3A_712 = tpu.memref_slice %arg12[%dma_wait3A_710, %dma_wait3A_711] : memref<320x64xf32, #tpu.memory_space<vmem>> -> memref<80x64xf32, #tpu.memory_space<vmem>>
      %dma_wait3A_713 = arith.constant 0 : i32
      %dma_wait3A_714 = tpu.memref_slice %arg8[%dma_wait3A_709, %dma_wait3A_713] : memref<80x80xi32, #tpu.memory_space<vmem>> -> memref<1x80xi32, #tpu.memory_space<vmem>>
      %dma_wait3A_715 = tpu.memref_squeeze %dma_wait3A_714 : memref<1x80xi32, #tpu.memory_space<vmem>> -> memref<80xi32, #tpu.memory_space<vmem>>
      %dma_wait3A_716 = arith.constant 0 : i32
      %dma_wait3A_717 = arith.constant 0 : i32
      %dma_wait3A_718 = tpu.memref_slice %arg5[%dma_wait3A_716, %dma_wait3A_717] : memref<201x64xf32, #tpu.memory_space<hbm>> -> memref<201x64xf32, #tpu.memory_space<hbm>>
      tpu.wait_indirect_dma semaphore(%arg14 : memref<!tpu.dma_semaphore, #tpu.memory_space<semaphore_mem>>) src(%dma_wait3A_718 : memref<201x64xf32, #tpu.memory_space<hbm>>) dst(%dma_wait3A_712 : memref<80x64xf32, #tpu.memory_space<vmem>>)
      %dma_wait3A_719 = arith.constant 3 : i32
      %dma_wait3A_720 = arith.constant 240 : i32
      %dma_wait3A_721 = arith.constant 0 : i32
      %dma_wait3A_722 = tpu.memref_slice %arg10[%dma_wait3A_720, %dma_wait3A_721] : memref<320x64xf32, #tpu.memory_space<vmem>> -> memref<80x64xf32, #tpu.memory_space<vmem>>
      %dma_wait3A_723 = arith.constant 0 : i32
      %dma_wait3A_724 = tpu.memref_slice %arg7[%dma_wait3A_719, %dma_wait3A_723] : memref<80x80xi32, #tpu.memory_space<vmem>> -> memref<1x80xi32, #tpu.memory_space<vmem>>
      %dma_wait3A_725 = tpu.memref_squeeze %dma_wait3A_724 : memref<1x80xi32, #tpu.memory_space<vmem>> -> memref<80xi32, #tpu.memory_space<vmem>>
      %dma_wait3A_726 = arith.constant 0 : i32
      %dma_wait3A_727 = arith.constant 0 : i32
      %dma_wait3A_728 = tpu.memref_slice %arg4[%dma_wait3A_726, %dma_wait3A_727] : memref<1000000x64xf32, #tpu.memory_space<hbm>> -> memref<1000000x64xf32, #tpu.memory_space<hbm>>
      tpu.wait_indirect_dma semaphore(%arg14 : memref<!tpu.dma_semaphore, #tpu.memory_space<semaphore_mem>>) src(%dma_wait3A_728 : memref<1000000x64xf32, #tpu.memory_space<hbm>>) dst(%dma_wait3A_722 : memref<80x64xf32, #tpu.memory_space<vmem>>)
      %dma_wait3A_729 = arith.constant 3 : i32
      %dma_wait3A_730 = arith.constant 240 : i32
      %dma_wait3A_731 = arith.constant 0 : i32
      %dma_wait3A_732 = tpu.memref_slice %arg12[%dma_wait3A_730, %dma_wait3A_731] : memref<320x64xf32, #tpu.memory_space<vmem>> -> memref<80x64xf32, #tpu.memory_space<vmem>>
      %dma_wait3A_733 = arith.constant 0 : i32
      %dma_wait3A_734 = tpu.memref_slice %arg8[%dma_wait3A_729, %dma_wait3A_733] : memref<80x80xi32, #tpu.memory_space<vmem>> -> memref<1x80xi32, #tpu.memory_space<vmem>>
      %dma_wait3A_735 = tpu.memref_squeeze %dma_wait3A_734 : memref<1x80xi32, #tpu.memory_space<vmem>> -> memref<80xi32, #tpu.memory_space<vmem>>
      %dma_wait3A_736 = arith.constant 0 : i32
      %dma_wait3A_737 = arith.constant 0 : i32
      %dma_wait3A_738 = tpu.memref_slice %arg5[%dma_wait3A_736, %dma_wait3A_737] : memref<201x64xf32, #tpu.memory_space<hbm>> -> memref<201x64xf32, #tpu.memory_space<hbm>>
      tpu.wait_indirect_dma semaphore(%arg14 : memref<!tpu.dma_semaphore, #tpu.memory_space<semaphore_mem>>) src(%dma_wait3A_738 : memref<201x64xf32, #tpu.memory_space<hbm>>) dst(%dma_wait3A_732 : memref<80x64xf32, #tpu.memory_space<vmem>>)
      %scan3A_739 = arith.constant 0 : i32
      %scan3A_740 = arith.constant 0 : i32
      %scan3A_741 = arith.constant 160 : i32
      %scan3A_742 = arith.addi %scan3A_740, %scan3A_741 : i32
      %scan3A_743 = arith.constant 1 : i32
      %scan3A_744 = scf.for %scan3A_752 = %scan3A_740 to %scan3A_742 step %scan3A_743 iter_args(%scan3A_753 = %scan3A_739) -> (i32)  : i32 {
        %mul3A_754 = arith.constant 2 : i32
        %mul3A_755 = arith.muli %mul3A_754, %scan3A_752 : i32
        %add3A_756 = arith.constant 0 : i32
        %add3A_757 = arith.addi %mul3A_755, %add3A_756 : i32
        %mul3A_758 = arith.constant 2 : i32
        %mul3A_759 = arith.muli %mul3A_758, %scan3A_752 : i32
        %add3A_760 = arith.constant 0 : i32
        %add3A_761 = arith.addi %mul3A_759, %add3A_760 : i32
        %get3A = arith.index_cast %add3A_761 : i32 to index
        %get3A_762 = arith.constant 0 : index
        %get3A_763 = tpu.vector_load %arg12[%get3A, %get3A_762] {strides = array<i32>} : memref<320x64xf32, #tpu.memory_space<vmem>>, vector<1x16xf32>,
        %get3A_764 = vector.shape_cast %get3A_763 : vector<1x16xf32> to vector<16xf32>
        %swap3A = arith.index_cast %add3A_757 : i32 to index
        %swap3A_765 = arith.constant 0 : index
        %swap3A_766 = tpu.vector_load %arg10[%swap3A, %swap3A_765] {strides = array<i32>} : memref<320x64xf32, #tpu.memory_space<vmem>>, vector<1x16xf32>,
        %swap3A_767 = vector.shape_cast %swap3A_766 : vector<1x16xf32> to vector<16xf32>
        %swap3A_768 = vector.shape_cast %get3A_764 : vector<16xf32> to vector<1x16xf32>
        tpu.vector_store %arg10[%swap3A, %swap3A_765], %swap3A_768 {add = true, strides = array<i32>} : memref<320x64xf32, #tpu.memory_space<vmem>>, vector<1x16xf32>,
        %mul3A_769 = arith.constant 2 : i32
        %mul3A_770 = arith.muli %mul3A_769, %scan3A_752 : i32
        %add3A_771 = arith.constant 0 : i32
        %add3A_772 = arith.addi %mul3A_770, %add3A_771 : i32
        %mul3A_773 = arith.constant 2 : i32
        %mul3A_774 = arith.muli %mul3A_773, %scan3A_752 : i32
        %add3A_775 = arith.constant 0 : i32
        %add3A_776 = arith.addi %mul3A_774, %add3A_775 : i32
        %get3A_777 = arith.index_cast %add3A_776 : i32 to index
        %get3A_778 = arith.constant 16 : index
        %get3A_779 = tpu.vector_load %arg12[%get3A_777, %get3A_778] {strides = array<i32>} : memref<320x64xf32, #tpu.memory_space<vmem>>, vector<1x16xf32>,
        %get3A_780 = vector.shape_cast %get3A_779 : vector<1x16xf32> to vector<16xf32>
        %swap3A_781 = arith.index_cast %add3A_772 : i32 to index
        %swap3A_782 = arith.constant 16 : index
        %swap3A_783 = tpu.vector_load %arg10[%swap3A_781, %swap3A_782] {strides = array<i32>} : memref<320x64xf32, #tpu.memory_space<vmem>>, vector<1x16xf32>,
        %swap3A_784 = vector.shape_cast %swap3A_783 : vector<1x16xf32> to vector<16xf32>
        %swap3A_785 = vector.shape_cast %get3A_780 : vector<16xf32> to vector<1x16xf32>
        tpu.vector_store %arg10[%swap3A_781, %swap3A_782], %swap3A_785 {add = true, strides = array<i32>} : memref<320x64xf32, #tpu.memory_space<vmem>>, vector<1x16xf32>,
        %mul3A_786 = arith.constant 2 : i32
        %mul3A_787 = arith.muli %mul3A_786, %scan3A_752 : i32
        %add3A_788 = arith.constant 0 : i32
        %add3A_789 = arith.addi %mul3A_787, %add3A_788 : i32
        %mul3A_790 = arith.constant 2 : i32
        %mul3A_791 = arith.muli %mul3A_790, %scan3A_752 : i32
        %add3A_792 = arith.constant 0 : i32
        %add3A_793 = arith.addi %mul3A_791, %add3A_792 : i32
        %get3A_794 = arith.index_cast %add3A_793 : i32 to index
        %get3A_795 = arith.constant 32 : index
        %get3A_796 = tpu.vector_load %arg12[%get3A_794, %get3A_795] {strides = array<i32>} : memref<320x64xf32, #tpu.memory_space<vmem>>, vector<1x16xf32>,
        %get3A_797 = vector.shape_cast %get3A_796 : vector<1x16xf32> to vector<16xf32>
        %swap3A_798 = arith.index_cast %add3A_789 : i32 to index
        %swap3A_799 = arith.constant 32 : index
        %swap3A_800 = tpu.vector_load %arg10[%swap3A_798, %swap3A_799] {strides = array<i32>} : memref<320x64xf32, #tpu.memory_space<vmem>>, vector<1x16xf32>,
        %swap3A_801 = vector.shape_cast %swap3A_800 : vector<1x16xf32> to vector<16xf32>
        %swap3A_802 = vector.shape_cast %get3A_797 : vector<16xf32> to vector<1x16xf32>
        tpu.vector_store %arg10[%swap3A_798, %swap3A_799], %swap3A_802 {add = true, strides = array<i32>} : memref<320x64xf32, #tpu.memory_space<vmem>>, vector<1x16xf32>,
        %mul3A_803 = arith.constant 2 : i32
        %mul3A_804 = arith.muli %mul3A_803, %scan3A_752 : i32
        %add3A_805 = arith.constant 0 : i32
        %add3A_806 = arith.addi %mul3A_804, %add3A_805 : i32
        %mul3A_807 = arith.constant 2 : i32
        %mul3A_808 = arith.muli %mul3A_807, %scan3A_752 : i32
        %add3A_809 = arith.constant 0 : i32
        %add3A_810 = arith.addi %mul3A_808, %add3A_809 : i32
        %get3A_811 = arith.index_cast %add3A_810 : i32 to index
        %get3A_812 = arith.constant 48 : index
        %get3A_813 = tpu.vector_load %arg12[%get3A_811, %get3A_812] {strides = array<i32>} : memref<320x64xf32, #tpu.memory_space<vmem>>, vector<1x16xf32>,
        %get3A_814 = vector.shape_cast %get3A_813 : vector<1x16xf32> to vector<16xf32>
        %swap3A_815 = arith.index_cast %add3A_806 : i32 to index
        %swap3A_816 = arith.constant 48 : index
        %swap3A_817 = tpu.vector_load %arg10[%swap3A_815, %swap3A_816] {strides = array<i32>} : memref<320x64xf32, #tpu.memory_space<vmem>>, vector<1x16xf32>,
        %swap3A_818 = vector.shape_cast %swap3A_817 : vector<1x16xf32> to vector<16xf32>
        %swap3A_819 = vector.shape_cast %get3A_814 : vector<16xf32> to vector<1x16xf32>
        tpu.vector_store %arg10[%swap3A_815, %swap3A_816], %swap3A_819 {add = true, strides = array<i32>} : memref<320x64xf32, #tpu.memory_space<vmem>>, vector<1x16xf32>,
        %mul3A_820 = arith.constant 2 : i32
        %mul3A_821 = arith.muli %mul3A_820, %scan3A_752 : i32
        %add3A_822 = arith.constant 1 : i32
        %add3A_823 = arith.addi %mul3A_821, %add3A_822 : i32
        %mul3A_824 = arith.constant 2 : i32
        %mul3A_825 = arith.muli %mul3A_824, %scan3A_752 : i32
        %add3A_826 = arith.constant 1 : i32
        %add3A_827 = arith.addi %mul3A_825, %add3A_826 : i32
        %get3A_828 = arith.index_cast %add3A_827 : i32 to index
        %get3A_829 = arith.constant 0 : index
        %get3A_830 = tpu.vector_load %arg12[%get3A_828, %get3A_829] {strides = array<i32>} : memref<320x64xf32, #tpu.memory_space<vmem>>, vector<1x16xf32>,
        %get3A_831 = vector.shape_cast %get3A_830 : vector<1x16xf32> to vector<16xf32>
        %swap3A_832 = arith.index_cast %add3A_823 : i32 to index
        %swap3A_833 = arith.constant 0 : index
        %swap3A_834 = tpu.vector_load %arg10[%swap3A_832, %swap3A_833] {strides = array<i32>} : memref<320x64xf32, #tpu.memory_space<vmem>>, vector<1x16xf32>,
        %swap3A_835 = vector.shape_cast %swap3A_834 : vector<1x16xf32> to vector<16xf32>
        %swap3A_836 = vector.shape_cast %get3A_831 : vector<16xf32> to vector<1x16xf32>
        tpu.vector_store %arg10[%swap3A_832, %swap3A_833], %swap3A_836 {add = true, strides = array<i32>} : memref<320x64xf32, #tpu.memory_space<vmem>>, vector<1x16xf32>,
        %mul3A_837 = arith.constant 2 : i32
        %mul3A_838 = arith.muli %mul3A_837, %scan3A_752 : i32
        %add3A_839 = arith.constant 1 : i32
        %add3A_840 = arith.addi %mul3A_838, %add3A_839 : i32
        %mul3A_841 = arith.constant 2 : i32
        %mul3A_842 = arith.muli %mul3A_841, %scan3A_752 : i32
        %add3A_843 = arith.constant 1 : i32
        %add3A_844 = arith.addi %mul3A_842, %add3A_843 : i32
        %get3A_845 = arith.index_cast %add3A_844 : i32 to index
        %get3A_846 = arith.constant 16 : index
        %get3A_847 = tpu.vector_load %arg12[%get3A_845, %get3A_846] {strides = array<i32>} : memref<320x64xf32, #tpu.memory_space<vmem>>, vector<1x16xf32>,
        %get3A_848 = vector.shape_cast %get3A_847 : vector<1x16xf32> to vector<16xf32>
        %swap3A_849 = arith.index_cast %add3A_840 : i32 to index
        %swap3A_850 = arith.constant 16 : index
        %swap3A_851 = tpu.vector_load %arg10[%swap3A_849, %swap3A_850] {strides = array<i32>} : memref<320x64xf32, #tpu.memory_space<vmem>>, vector<1x16xf32>,
        %swap3A_852 = vector.shape_cast %swap3A_851 : vector<1x16xf32> to vector<16xf32>
        %swap3A_853 = vector.shape_cast %get3A_848 : vector<16xf32> to vector<1x16xf32>
        tpu.vector_store %arg10[%swap3A_849, %swap3A_850], %swap3A_853 {add = true, strides = array<i32>} : memref<320x64xf32, #tpu.memory_space<vmem>>, vector<1x16xf32>,
        %mul3A_854 = arith.constant 2 : i32
        %mul3A_855 = arith.muli %mul3A_854, %scan3A_752 : i32
        %add3A_856 = arith.constant 1 : i32
        %add3A_857 = arith.addi %mul3A_855, %add3A_856 : i32
        %mul3A_858 = arith.constant 2 : i32
        %mul3A_859 = arith.muli %mul3A_858, %scan3A_752 : i32
        %add3A_860 = arith.constant 1 : i32
        %add3A_861 = arith.addi %mul3A_859, %add3A_860 : i32
        %get3A_862 = arith.index_cast %add3A_861 : i32 to index
        %get3A_863 = arith.constant 32 : index
        %get3A_864 = tpu.vector_load %arg12[%get3A_862, %get3A_863] {strides = array<i32>} : memref<320x64xf32, #tpu.memory_space<vmem>>, vector<1x16xf32>,
        %get3A_865 = vector.shape_cast %get3A_864 : vector<1x16xf32> to vector<16xf32>
        %swap3A_866 = arith.index_cast %add3A_857 : i32 to index
        %swap3A_867 = arith.constant 32 : index
        %swap3A_868 = tpu.vector_load %arg10[%swap3A_866, %swap3A_867] {strides = array<i32>} : memref<320x64xf32, #tpu.memory_space<vmem>>, vector<1x16xf32>,
        %swap3A_869 = vector.shape_cast %swap3A_868 : vector<1x16xf32> to vector<16xf32>
        %swap3A_870 = vector.shape_cast %get3A_865 : vector<16xf32> to vector<1x16xf32>
        tpu.vector_store %arg10[%swap3A_866, %swap3A_867], %swap3A_870 {add = true, strides = array<i32>} : memref<320x64xf32, #tpu.memory_space<vmem>>, vector<1x16xf32>,
        %mul3A_871 = arith.constant 2 : i32
        %mul3A_872 = arith.muli %mul3A_871, %scan3A_752 : i32
        %add3A_873 = arith.constant 1 : i32
        %add3A_874 = arith.addi %mul3A_872, %add3A_873 : i32
        %mul3A_875 = arith.constant 2 : i32
        %mul3A_876 = arith.muli %mul3A_875, %scan3A_752 : i32
        %add3A_877 = arith.constant 1 : i32
        %add3A_878 = arith.addi %mul3A_876, %add3A_877 : i32
        %get3A_879 = arith.index_cast %add3A_878 : i32 to index
        %get3A_880 = arith.constant 48 : index
        %get3A_881 = tpu.vector_load %arg12[%get3A_879, %get3A_880] {strides = array<i32>} : memref<320x64xf32, #tpu.memory_space<vmem>>, vector<1x16xf32>,
        %get3A_882 = vector.shape_cast %get3A_881 : vector<1x16xf32> to vector<16xf32>
        %swap3A_883 = arith.index_cast %add3A_874 : i32 to index
        %swap3A_884 = arith.constant 48 : index
        %swap3A_885 = tpu.vector_load %arg10[%swap3A_883, %swap3A_884] {strides = array<i32>} : memref<320x64xf32, #tpu.memory_space<vmem>>, vector<1x16xf32>,
        %swap3A_886 = vector.shape_cast %swap3A_885 : vector<1x16xf32> to vector<16xf32>
        %swap3A_887 = vector.shape_cast %get3A_882 : vector<16xf32> to vector<1x16xf32>
        tpu.vector_store %arg10[%swap3A_883, %swap3A_884], %swap3A_887 {add = true, strides = array<i32>} : memref<320x64xf32, #tpu.memory_space<vmem>>, vector<1x16xf32>,
        %scan3A_888 = arith.constant 0 : i32
        scf.yield %scan3A_888 : i32
      }
      %scan3A_745 = arith.constant 160 : i32
      %mul3A_746 = arith.constant 6400 : i32
      %mul3A_747 = arith.muli %add3A, %mul3A_746 : i32
      %mul3A_748 = arith.constant 320 : i32
      %mul3A_749 = arith.muli %add3A_552, %mul3A_748 : i32
      %add3A_750 = arith.addi %mul3A_747, %mul3A_749 : i32
      "tpu.region"() ({
        %run_scoped3A = tpu.sem_alloc : memref<!tpu.dma_semaphore, #tpu.memory_space<semaphore_mem>>
        %dma_start3A_752 = arith.constant 0 : i32
        %dma_start3A_753 = tpu.memref_slice %arg6[%add3A_750, %dma_start3A_752] : memref<204800x64xf32, #tpu.memory_space<hbm>> -> memref<320x64xf32, #tpu.memory_space<hbm>>
        %dma_start3A_754 = arith.constant 0 : i32
        %dma_start3A_755 = tpu.memref_slice %arg6[%add3A_750, %dma_start3A_754] : memref<204800x64xf32, #tpu.memory_space<hbm>> -> memref<320x64xf32, #tpu.memory_space<hbm>>
        tpu.enqueue_dma source(%arg10 : memref<320x64xf32, #tpu.memory_space<vmem>>) target(%dma_start3A_755 : memref<320x64xf32, #tpu.memory_space<hbm>>) target_semaphore(%run_scoped3A : memref<!tpu.dma_semaphore, #tpu.memory_space<semaphore_mem>>)
        %dma_wait3A_756 = arith.constant 0 : i32
        %dma_wait3A_757 = tpu.memref_slice %arg6[%add3A_750, %dma_wait3A_756] : memref<204800x64xf32, #tpu.memory_space<hbm>> -> memref<320x64xf32, #tpu.memory_space<hbm>>
        %dma_wait3A_758 = arith.constant 0 : i32
        %dma_wait3A_759 = tpu.memref_slice %arg6[%add3A_750, %dma_wait3A_758] : memref<204800x64xf32, #tpu.memory_space<hbm>> -> memref<320x64xf32, #tpu.memory_space<hbm>>
        tpu.wait_dma2 semaphore(%run_scoped3A : memref<!tpu.dma_semaphore, #tpu.memory_space<semaphore_mem>>) src(%arg10 : memref<320x64xf32, #tpu.memory_space<vmem>>) dst(%dma_wait3A_759 : memref<320x64xf32, #tpu.memory_space<hbm>>)
        tpu.yield
      }) : () -> ()
      %scan3A_751 = arith.constant 0 : i32
      scf.yield %scan3A_751 : i32
    }
    %scan3A_85 = arith.constant 9 : i32
    %dma_start3A_86 = arith.constant 76 : i32
    %dma_start3A_87 = arith.constant 0 : i32
    %dma_start3A_88 = arith.constant 0 : i32
    %dma_start3A_89 = tpu.memref_slice %arg10[%dma_start3A_87, %dma_start3A_88] : memref<320x64xf32, #tpu.memory_space<vmem>> -> memref<80x64xf32, #tpu.memory_space<vmem>>
    %dma_start3A_90 = arith.constant 0 : i32
    %dma_start3A_91 = tpu.memref_slice %arg7[%dma_start3A_86, %dma_start3A_90] : memref<80x80xi32, #tpu.memory_space<vmem>> -> memref<1x80xi32, #tpu.memory_space<vmem>>
    %dma_start3A_92 = tpu.memref_squeeze %dma_start3A_91 : memref<1x80xi32, #tpu.memory_space<vmem>> -> memref<80xi32, #tpu.memory_space<vmem>>
    %dma_start3A_93 = arith.constant 0 : i32
    %dma_start3A_94 = arith.constant 0 : i32
    %dma_start3A_95 = tpu.memref_slice %arg4[%dma_start3A_93, %dma_start3A_94] : memref<1000000x64xf32, #tpu.memory_space<hbm>> -> memref<1000000x64xf32, #tpu.memory_space<hbm>>
    tpu.enqueue_indirect_dma source(%dma_start3A_95 : memref<1000000x64xf32, #tpu.memory_space<hbm>>) target(%dma_start3A_89 : memref<80x64xf32, #tpu.memory_space<vmem>>) offsets(%dma_start3A_92 : memref<80xi32, #tpu.memory_space<vmem>>) semaphore(%arg14 : memref<!tpu.dma_semaphore, #tpu.memory_space<semaphore_mem>>)
    %dma_start3A_96 = arith.constant 76 : i32
    %dma_start3A_97 = arith.constant 0 : i32
    %dma_start3A_98 = arith.constant 0 : i32
    %dma_start3A_99 = tpu.memref_slice %arg12[%dma_start3A_97, %dma_start3A_98] : memref<320x64xf32, #tpu.memory_space<vmem>> -> memref<80x64xf32, #tpu.memory_space<vmem>>
    %dma_start3A_100 = arith.constant 0 : i32
    %dma_start3A_101 = tpu.memref_slice %arg8[%dma_start3A_96, %dma_start3A_100] : memref<80x80xi32, #tpu.memory_space<vmem>> -> memref<1x80xi32, #tpu.memory_space<vmem>>
    %dma_start3A_102 = tpu.memref_squeeze %dma_start3A_101 : memref<1x80xi32, #tpu.memory_space<vmem>> -> memref<80xi32, #tpu.memory_space<vmem>>
    %dma_start3A_103 = arith.constant 0 : i32
    %dma_start3A_104 = arith.constant 0 : i32
    %dma_start3A_105 = tpu.memref_slice %arg5[%dma_start3A_103, %dma_start3A_104] : memref<201x64xf32, #tpu.memory_space<hbm>> -> memref<201x64xf32, #tpu.memory_space<hbm>>
    tpu.enqueue_indirect_dma source(%dma_start3A_105 : memref<201x64xf32, #tpu.memory_space<hbm>>) target(%dma_start3A_99 : memref<80x64xf32, #tpu.memory_space<vmem>>) offsets(%dma_start3A_102 : memref<80xi32, #tpu.memory_space<vmem>>) semaphore(%arg14 : memref<!tpu.dma_semaphore, #tpu.memory_space<semaphore_mem>>)
    %dma_start3A_106 = arith.constant 77 : i32
    %dma_start3A_107 = arith.constant 80 : i32
    %dma_start3A_108 = arith.constant 0 : i32
    %dma_start3A_109 = tpu.memref_slice %arg10[%dma_start3A_107, %dma_start3A_108] : memref<320x64xf32, #tpu.memory_space<vmem>> -> memref<80x64xf32, #tpu.memory_space<vmem>>
    %dma_start3A_110 = arith.constant 0 : i32
    %dma_start3A_111 = tpu.memref_slice %arg7[%dma_start3A_106, %dma_start3A_110] : memref<80x80xi32, #tpu.memory_space<vmem>> -> memref<1x80xi32, #tpu.memory_space<vmem>>
    %dma_start3A_112 = tpu.memref_squeeze %dma_start3A_111 : memref<1x80xi32, #tpu.memory_space<vmem>> -> memref<80xi32, #tpu.memory_space<vmem>>
    %dma_start3A_113 = arith.constant 0 : i32
    %dma_start3A_114 = arith.constant 0 : i32
    %dma_start3A_115 = tpu.memref_slice %arg4[%dma_start3A_113, %dma_start3A_114] : memref<1000000x64xf32, #tpu.memory_space<hbm>> -> memref<1000000x64xf32, #tpu.memory_space<hbm>>
    tpu.enqueue_indirect_dma source(%dma_start3A_115 : memref<1000000x64xf32, #tpu.memory_space<hbm>>) target(%dma_start3A_109 : memref<80x64xf32, #tpu.memory_space<vmem>>) offsets(%dma_start3A_112 : memref<80xi32, #tpu.memory_space<vmem>>) semaphore(%arg14 : memref<!tpu.dma_semaphore, #tpu.memory_space<semaphore_mem>>)
    %dma_start3A_116 = arith.constant 77 : i32
    %dma_start3A_117 = arith.constant 80 : i32
    %dma_start3A_118 = arith.constant 0 : i32
    %dma_start3A_119 = tpu.memref_slice %arg12[%dma_start3A_117, %dma_start3A_118] : memref<320x64xf32, #tpu.memory_space<vmem>> -> memref<80x64xf32, #tpu.memory_space<vmem>>
    %dma_start3A_120 = arith.constant 0 : i32
    %dma_start3A_121 = tpu.memref_slice %arg8[%dma_start3A_116, %dma_start3A_120] : memref<80x80xi32, #tpu.memory_space<vmem>> -> memref<1x80xi32, #tpu.memory_space<vmem>>
    %dma_start3A_122 = tpu.memref_squeeze %dma_start3A_121 : memref<1x80xi32, #tpu.memory_space<vmem>> -> memref<80xi32, #tpu.memory_space<vmem>>
    %dma_start3A_123 = arith.constant 0 : i32
    %dma_start3A_124 = arith.constant 0 : i32
    %dma_start3A_125 = tpu.memref_slice %arg5[%dma_start3A_123, %dma_start3A_124] : memref<201x64xf32, #tpu.memory_space<hbm>> -> memref<201x64xf32, #tpu.memory_space<hbm>>
    tpu.enqueue_indirect_dma source(%dma_start3A_125 : memref<201x64xf32, #tpu.memory_space<hbm>>) target(%dma_start3A_119 : memref<80x64xf32, #tpu.memory_space<vmem>>) offsets(%dma_start3A_122 : memref<80xi32, #tpu.memory_space<vmem>>) semaphore(%arg14 : memref<!tpu.dma_semaphore, #tpu.memory_space<semaphore_mem>>)
    %dma_start3A_126 = arith.constant 78 : i32
    %dma_start3A_127 = arith.constant 160 : i32
    %dma_start3A_128 = arith.constant 0 : i32
    %dma_start3A_129 = tpu.memref_slice %arg10[%dma_start3A_127, %dma_start3A_128] : memref<320x64xf32, #tpu.memory_space<vmem>> -> memref<80x64xf32, #tpu.memory_space<vmem>>
    %dma_start3A_130 = arith.constant 0 : i32
    %dma_start3A_131 = tpu.memref_slice %arg7[%dma_start3A_126, %dma_start3A_130] : memref<80x80xi32, #tpu.memory_space<vmem>> -> memref<1x80xi32, #tpu.memory_space<vmem>>
    %dma_start3A_132 = tpu.memref_squeeze %dma_start3A_131 : memref<1x80xi32, #tpu.memory_space<vmem>> -> memref<80xi32, #tpu.memory_space<vmem>>
    %dma_start3A_133 = arith.constant 0 : i32
    %dma_start3A_134 = arith.constant 0 : i32
    %dma_start3A_135 = tpu.memref_slice %arg4[%dma_start3A_133, %dma_start3A_134] : memref<1000000x64xf32, #tpu.memory_space<hbm>> -> memref<1000000x64xf32, #tpu.memory_space<hbm>>
    tpu.enqueue_indirect_dma source(%dma_start3A_135 : memref<1000000x64xf32, #tpu.memory_space<hbm>>) target(%dma_start3A_129 : memref<80x64xf32, #tpu.memory_space<vmem>>) offsets(%dma_start3A_132 : memref<80xi32, #tpu.memory_space<vmem>>) semaphore(%arg14 : memref<!tpu.dma_semaphore, #tpu.memory_space<semaphore_mem>>)
    %dma_start3A_136 = arith.constant 78 : i32
    %dma_start3A_137 = arith.constant 160 : i32
    %dma_start3A_138 = arith.constant 0 : i32
    %dma_start3A_139 = tpu.memref_slice %arg12[%dma_start3A_137, %dma_start3A_138] : memref<320x64xf32, #tpu.memory_space<vmem>> -> memref<80x64xf32, #tpu.memory_space<vmem>>
    %dma_start3A_140 = arith.constant 0 : i32
    %dma_start3A_141 = tpu.memref_slice %arg8[%dma_start3A_136, %dma_start3A_140] : memref<80x80xi32, #tpu.memory_space<vmem>> -> memref<1x80xi32, #tpu.memory_space<vmem>>
    %dma_start3A_142 = tpu.memref_squeeze %dma_start3A_141 : memref<1x80xi32, #tpu.memory_space<vmem>> -> memref<80xi32, #tpu.memory_space<vmem>>
    %dma_start3A_143 = arith.constant 0 : i32
    %dma_start3A_144 = arith.constant 0 : i32
    %dma_start3A_145 = tpu.memref_slice %arg5[%dma_start3A_143, %dma_start3A_144] : memref<201x64xf32, #tpu.memory_space<hbm>> -> memref<201x64xf32, #tpu.memory_space<hbm>>
    tpu.enqueue_indirect_dma source(%dma_start3A_145 : memref<201x64xf32, #tpu.memory_space<hbm>>) target(%dma_start3A_139 : memref<80x64xf32, #tpu.memory_space<vmem>>) offsets(%dma_start3A_142 : memref<80xi32, #tpu.memory_space<vmem>>) semaphore(%arg14 : memref<!tpu.dma_semaphore, #tpu.memory_space<semaphore_mem>>)
    %dma_start3A_146 = arith.constant 79 : i32
    %dma_start3A_147 = arith.constant 240 : i32
    %dma_start3A_148 = arith.constant 0 : i32
    %dma_start3A_149 = tpu.memref_slice %arg10[%dma_start3A_147, %dma_start3A_148] : memref<320x64xf32, #tpu.memory_space<vmem>> -> memref<80x64xf32, #tpu.memory_space<vmem>>
    %dma_start3A_150 = arith.constant 0 : i32
    %dma_start3A_151 = tpu.memref_slice %arg7[%dma_start3A_146, %dma_start3A_150] : memref<80x80xi32, #tpu.memory_space<vmem>> -> memref<1x80xi32, #tpu.memory_space<vmem>>
    %dma_start3A_152 = tpu.memref_squeeze %dma_start3A_151 : memref<1x80xi32, #tpu.memory_space<vmem>> -> memref<80xi32, #tpu.memory_space<vmem>>
    %dma_start3A_153 = arith.constant 0 : i32
    %dma_start3A_154 = arith.constant 0 : i32
    %dma_start3A_155 = tpu.memref_slice %arg4[%dma_start3A_153, %dma_start3A_154] : memref<1000000x64xf32, #tpu.memory_space<hbm>> -> memref<1000000x64xf32, #tpu.memory_space<hbm>>
    tpu.enqueue_indirect_dma source(%dma_start3A_155 : memref<1000000x64xf32, #tpu.memory_space<hbm>>) target(%dma_start3A_149 : memref<80x64xf32, #tpu.memory_space<vmem>>) offsets(%dma_start3A_152 : memref<80xi32, #tpu.memory_space<vmem>>) semaphore(%arg14 : memref<!tpu.dma_semaphore, #tpu.memory_space<semaphore_mem>>)
    %dma_start3A_156 = arith.constant 79 : i32
    %dma_start3A_157 = arith.constant 240 : i32
    %dma_start3A_158 = arith.constant 0 : i32
    %dma_start3A_159 = tpu.memref_slice %arg12[%dma_start3A_157, %dma_start3A_158] : memref<320x64xf32, #tpu.memory_space<vmem>> -> memref<80x64xf32, #tpu.memory_space<vmem>>
    %dma_start3A_160 = arith.constant 0 : i32
    %dma_start3A_161 = tpu.memref_slice %arg8[%dma_start3A_156, %dma_start3A_160] : memref<80x80xi32, #tpu.memory_space<vmem>> -> memref<1x80xi32, #tpu.memory_space<vmem>>
    %dma_start3A_162 = tpu.memref_squeeze %dma_start3A_161 : memref<1x80xi32, #tpu.memory_space<vmem>> -> memref<80xi32, #tpu.memory_space<vmem>>
    %dma_start3A_163 = arith.constant 0 : i32
    %dma_start3A_164 = arith.constant 0 : i32
    %dma_start3A_165 = tpu.memref_slice %arg5[%dma_start3A_163, %dma_start3A_164] : memref<201x64xf32, #tpu.memory_space<hbm>> -> memref<201x64xf32, #tpu.memory_space<hbm>>
    tpu.enqueue_indirect_dma source(%dma_start3A_165 : memref<201x64xf32, #tpu.memory_space<hbm>>) target(%dma_start3A_159 : memref<80x64xf32, #tpu.memory_space<vmem>>) offsets(%dma_start3A_162 : memref<80xi32, #tpu.memory_space<vmem>>) semaphore(%arg14 : memref<!tpu.dma_semaphore, #tpu.memory_space<semaphore_mem>>)
    %dma_wait3A = arith.constant 0 : i32
    %dma_wait3A_166 = arith.constant 0 : i32
    %dma_wait3A_167 = arith.constant 0 : i32
    %dma_wait3A_168 = tpu.memref_slice %arg9[%dma_wait3A_166, %dma_wait3A_167] : memref<320x64xf32, #tpu.memory_space<vmem>> -> memref<80x64xf32, #tpu.memory_space<vmem>>
    %dma_wait3A_169 = arith.constant 0 : i32
    %dma_wait3A_170 = tpu.memref_slice %arg7[%dma_wait3A, %dma_wait3A_169] : memref<80x80xi32, #tpu.memory_space<vmem>> -> memref<1x80xi32, #tpu.memory_space<vmem>>
    %dma_wait3A_171 = tpu.memref_squeeze %dma_wait3A_170 : memref<1x80xi32, #tpu.memory_space<vmem>> -> memref<80xi32, #tpu.memory_space<vmem>>
    %dma_wait3A_172 = arith.constant 0 : i32
    %dma_wait3A_173 = arith.constant 0 : i32
    %dma_wait3A_174 = tpu.memref_slice %arg4[%dma_wait3A_172, %dma_wait3A_173] : memref<1000000x64xf32, #tpu.memory_space<hbm>> -> memref<1000000x64xf32, #tpu.memory_space<hbm>>
    tpu.wait_indirect_dma semaphore(%arg13 : memref<!tpu.dma_semaphore, #tpu.memory_space<semaphore_mem>>) src(%dma_wait3A_174 : memref<1000000x64xf32, #tpu.memory_space<hbm>>) dst(%dma_wait3A_168 : memref<80x64xf32, #tpu.memory_space<vmem>>)
    %dma_wait3A_175 = arith.constant 0 : i32
    %dma_wait3A_176 = arith.constant 0 : i32
    %dma_wait3A_177 = arith.constant 0 : i32
    %dma_wait3A_178 = tpu.memref_slice %arg11[%dma_wait3A_176, %dma_wait3A_177] : memref<320x64xf32, #tpu.memory_space<vmem>> -> memref<80x64xf32, #tpu.memory_space<vmem>>
    %dma_wait3A_179 = arith.constant 0 : i32
    %dma_wait3A_180 = tpu.memref_slice %arg8[%dma_wait3A_175, %dma_wait3A_179] : memref<80x80xi32, #tpu.memory_space<vmem>> -> memref<1x80xi32, #tpu.memory_space<vmem>>
    %dma_wait3A_181 = tpu.memref_squeeze %dma_wait3A_180 : memref<1x80xi32, #tpu.memory_space<vmem>> -> memref<80xi32, #tpu.memory_space<vmem>>
    %dma_wait3A_182 = arith.constant 0 : i32
    %dma_wait3A_183 = arith.constant 0 : i32
    %dma_wait3A_184 = tpu.memref_slice %arg5[%dma_wait3A_182, %dma_wait3A_183] : memref<201x64xf32, #tpu.memory_space<hbm>> -> memref<201x64xf32, #tpu.memory_space<hbm>>
    tpu.wait_indirect_dma semaphore(%arg13 : memref<!tpu.dma_semaphore, #tpu.memory_space<semaphore_mem>>) src(%dma_wait3A_184 : memref<201x64xf32, #tpu.memory_space<hbm>>) dst(%dma_wait3A_178 : memref<80x64xf32, #tpu.memory_space<vmem>>)
    %dma_wait3A_185 = arith.constant 1 : i32
    %dma_wait3A_186 = arith.constant 80 : i32
    %dma_wait3A_187 = arith.constant 0 : i32
    %dma_wait3A_188 = tpu.memref_slice %arg9[%dma_wait3A_186, %dma_wait3A_187] : memref<320x64xf32, #tpu.memory_space<vmem>> -> memref<80x64xf32, #tpu.memory_space<vmem>>
    %dma_wait3A_189 = arith.constant 0 : i32
    %dma_wait3A_190 = tpu.memref_slice %arg7[%dma_wait3A_185, %dma_wait3A_189] : memref<80x80xi32, #tpu.memory_space<vmem>> -> memref<1x80xi32, #tpu.memory_space<vmem>>
    %dma_wait3A_191 = tpu.memref_squeeze %dma_wait3A_190 : memref<1x80xi32, #tpu.memory_space<vmem>> -> memref<80xi32, #tpu.memory_space<vmem>>
    %dma_wait3A_192 = arith.constant 0 : i32
    %dma_wait3A_193 = arith.constant 0 : i32
    %dma_wait3A_194 = tpu.memref_slice %arg4[%dma_wait3A_192, %dma_wait3A_193] : memref<1000000x64xf32, #tpu.memory_space<hbm>> -> memref<1000000x64xf32, #tpu.memory_space<hbm>>
    tpu.wait_indirect_dma semaphore(%arg13 : memref<!tpu.dma_semaphore, #tpu.memory_space<semaphore_mem>>) src(%dma_wait3A_194 : memref<1000000x64xf32, #tpu.memory_space<hbm>>) dst(%dma_wait3A_188 : memref<80x64xf32, #tpu.memory_space<vmem>>)
    %dma_wait3A_195 = arith.constant 1 : i32
    %dma_wait3A_196 = arith.constant 80 : i32
    %dma_wait3A_197 = arith.constant 0 : i32
    %dma_wait3A_198 = tpu.memref_slice %arg11[%dma_wait3A_196, %dma_wait3A_197] : memref<320x64xf32, #tpu.memory_space<vmem>> -> memref<80x64xf32, #tpu.memory_space<vmem>>
    %dma_wait3A_199 = arith.constant 0 : i32
    %dma_wait3A_200 = tpu.memref_slice %arg8[%dma_wait3A_195, %dma_wait3A_199] : memref<80x80xi32, #tpu.memory_space<vmem>> -> memref<1x80xi32, #tpu.memory_space<vmem>>
    %dma_wait3A_201 = tpu.memref_squeeze %dma_wait3A_200 : memref<1x80xi32, #tpu.memory_space<vmem>> -> memref<80xi32, #tpu.memory_space<vmem>>
    %dma_wait3A_202 = arith.constant 0 : i32
    %dma_wait3A_203 = arith.constant 0 : i32
    %dma_wait3A_204 = tpu.memref_slice %arg5[%dma_wait3A_202, %dma_wait3A_203] : memref<201x64xf32, #tpu.memory_space<hbm>> -> memref<201x64xf32, #tpu.memory_space<hbm>>
    tpu.wait_indirect_dma semaphore(%arg13 : memref<!tpu.dma_semaphore, #tpu.memory_space<semaphore_mem>>) src(%dma_wait3A_204 : memref<201x64xf32, #tpu.memory_space<hbm>>) dst(%dma_wait3A_198 : memref<80x64xf32, #tpu.memory_space<vmem>>)
    %dma_wait3A_205 = arith.constant 2 : i32
    %dma_wait3A_206 = arith.constant 160 : i32
    %dma_wait3A_207 = arith.constant 0 : i32
    %dma_wait3A_208 = tpu.memref_slice %arg9[%dma_wait3A_206, %dma_wait3A_207] : memref<320x64xf32, #tpu.memory_space<vmem>> -> memref<80x64xf32, #tpu.memory_space<vmem>>
    %dma_wait3A_209 = arith.constant 0 : i32
    %dma_wait3A_210 = tpu.memref_slice %arg7[%dma_wait3A_205, %dma_wait3A_209] : memref<80x80xi32, #tpu.memory_space<vmem>> -> memref<1x80xi32, #tpu.memory_space<vmem>>
    %dma_wait3A_211 = tpu.memref_squeeze %dma_wait3A_210 : memref<1x80xi32, #tpu.memory_space<vmem>> -> memref<80xi32, #tpu.memory_space<vmem>>
    %dma_wait3A_212 = arith.constant 0 : i32
    %dma_wait3A_213 = arith.constant 0 : i32
    %dma_wait3A_214 = tpu.memref_slice %arg4[%dma_wait3A_212, %dma_wait3A_213] : memref<1000000x64xf32, #tpu.memory_space<hbm>> -> memref<1000000x64xf32, #tpu.memory_space<hbm>>
    tpu.wait_indirect_dma semaphore(%arg13 : memref<!tpu.dma_semaphore, #tpu.memory_space<semaphore_mem>>) src(%dma_wait3A_214 : memref<1000000x64xf32, #tpu.memory_space<hbm>>) dst(%dma_wait3A_208 : memref<80x64xf32, #tpu.memory_space<vmem>>)
    %dma_wait3A_215 = arith.constant 2 : i32
    %dma_wait3A_216 = arith.constant 160 : i32
    %dma_wait3A_217 = arith.constant 0 : i32
    %dma_wait3A_218 = tpu.memref_slice %arg11[%dma_wait3A_216, %dma_wait3A_217] : memref<320x64xf32, #tpu.memory_space<vmem>> -> memref<80x64xf32, #tpu.memory_space<vmem>>
    %dma_wait3A_219 = arith.constant 0 : i32
    %dma_wait3A_220 = tpu.memref_slice %arg8[%dma_wait3A_215, %dma_wait3A_219] : memref<80x80xi32, #tpu.memory_space<vmem>> -> memref<1x80xi32, #tpu.memory_space<vmem>>
    %dma_wait3A_221 = tpu.memref_squeeze %dma_wait3A_220 : memref<1x80xi32, #tpu.memory_space<vmem>> -> memref<80xi32, #tpu.memory_space<vmem>>
    %dma_wait3A_222 = arith.constant 0 : i32
    %dma_wait3A_223 = arith.constant 0 : i32
    %dma_wait3A_224 = tpu.memref_slice %arg5[%dma_wait3A_222, %dma_wait3A_223] : memref<201x64xf32, #tpu.memory_space<hbm>> -> memref<201x64xf32, #tpu.memory_space<hbm>>
    tpu.wait_indirect_dma semaphore(%arg13 : memref<!tpu.dma_semaphore, #tpu.memory_space<semaphore_mem>>) src(%dma_wait3A_224 : memref<201x64xf32, #tpu.memory_space<hbm>>) dst(%dma_wait3A_218 : memref<80x64xf32, #tpu.memory_space<vmem>>)
    %dma_wait3A_225 = arith.constant 3 : i32
    %dma_wait3A_226 = arith.constant 240 : i32
    %dma_wait3A_227 = arith.constant 0 : i32
    %dma_wait3A_228 = tpu.memref_slice %arg9[%dma_wait3A_226, %dma_wait3A_227] : memref<320x64xf32, #tpu.memory_space<vmem>> -> memref<80x64xf32, #tpu.memory_space<vmem>>
    %dma_wait3A_229 = arith.constant 0 : i32
    %dma_wait3A_230 = tpu.memref_slice %arg7[%dma_wait3A_225, %dma_wait3A_229] : memref<80x80xi32, #tpu.memory_space<vmem>> -> memref<1x80xi32, #tpu.memory_space<vmem>>
    %dma_wait3A_231 = tpu.memref_squeeze %dma_wait3A_230 : memref<1x80xi32, #tpu.memory_space<vmem>> -> memref<80xi32, #tpu.memory_space<vmem>>
    %dma_wait3A_232 = arith.constant 0 : i32
    %dma_wait3A_233 = arith.constant 0 : i32
    %dma_wait3A_234 = tpu.memref_slice %arg4[%dma_wait3A_232, %dma_wait3A_233] : memref<1000000x64xf32, #tpu.memory_space<hbm>> -> memref<1000000x64xf32, #tpu.memory_space<hbm>>
    tpu.wait_indirect_dma semaphore(%arg13 : memref<!tpu.dma_semaphore, #tpu.memory_space<semaphore_mem>>) src(%dma_wait3A_234 : memref<1000000x64xf32, #tpu.memory_space<hbm>>) dst(%dma_wait3A_228 : memref<80x64xf32, #tpu.memory_space<vmem>>)
    %dma_wait3A_235 = arith.constant 3 : i32
    %dma_wait3A_236 = arith.constant 240 : i32
    %dma_wait3A_237 = arith.constant 0 : i32
    %dma_wait3A_238 = tpu.memref_slice %arg11[%dma_wait3A_236, %dma_wait3A_237] : memref<320x64xf32, #tpu.memory_space<vmem>> -> memref<80x64xf32, #tpu.memory_space<vmem>>
    %dma_wait3A_239 = arith.constant 0 : i32
    %dma_wait3A_240 = tpu.memref_slice %arg8[%dma_wait3A_235, %dma_wait3A_239] : memref<80x80xi32, #tpu.memory_space<vmem>> -> memref<1x80xi32, #tpu.memory_space<vmem>>
    %dma_wait3A_241 = tpu.memref_squeeze %dma_wait3A_240 : memref<1x80xi32, #tpu.memory_space<vmem>> -> memref<80xi32, #tpu.memory_space<vmem>>
    %dma_wait3A_242 = arith.constant 0 : i32
    %dma_wait3A_243 = arith.constant 0 : i32
    %dma_wait3A_244 = tpu.memref_slice %arg5[%dma_wait3A_242, %dma_wait3A_243] : memref<201x64xf32, #tpu.memory_space<hbm>> -> memref<201x64xf32, #tpu.memory_space<hbm>>
    tpu.wait_indirect_dma semaphore(%arg13 : memref<!tpu.dma_semaphore, #tpu.memory_space<semaphore_mem>>) src(%dma_wait3A_244 : memref<201x64xf32, #tpu.memory_space<hbm>>) dst(%dma_wait3A_238 : memref<80x64xf32, #tpu.memory_space<vmem>>)
    %scan3A_245 = arith.constant 0 : i32
    %scan3A_246 = arith.constant 0 : i32
    %scan3A_247 = arith.constant 160 : i32
    %scan3A_248 = arith.addi %scan3A_246, %scan3A_247 : i32
    %scan3A_249 = arith.constant 1 : i32
    %scan3A_250 = scf.for %scan3A_347 = %scan3A_246 to %scan3A_248 step %scan3A_249 iter_args(%scan3A_348 = %scan3A_245) -> (i32)  : i32 {
      %mul3A_349 = arith.constant 2 : i32
      %mul3A_350 = arith.muli %mul3A_349, %scan3A_347 : i32
      %add3A_351 = arith.constant 0 : i32
      %add3A_352 = arith.addi %mul3A_350, %add3A_351 : i32
      %mul3A_353 = arith.constant 2 : i32
      %mul3A_354 = arith.muli %mul3A_353, %scan3A_347 : i32
      %add3A_355 = arith.constant 0 : i32
      %add3A_356 = arith.addi %mul3A_354, %add3A_355 : i32
      %get3A = arith.index_cast %add3A_356 : i32 to index
      %get3A_357 = arith.constant 0 : index
      %get3A_358 = tpu.vector_load %arg11[%get3A, %get3A_357] {strides = array<i32>} : memref<320x64xf32, #tpu.memory_space<vmem>>, vector<1x16xf32>,
      %get3A_359 = vector.shape_cast %get3A_358 : vector<1x16xf32> to vector<16xf32>
      %swap3A = arith.index_cast %add3A_352 : i32 to index
      %swap3A_360 = arith.constant 0 : index
      %swap3A_361 = tpu.vector_load %arg9[%swap3A, %swap3A_360] {strides = array<i32>} : memref<320x64xf32, #tpu.memory_space<vmem>>, vector<1x16xf32>,
      %swap3A_362 = vector.shape_cast %swap3A_361 : vector<1x16xf32> to vector<16xf32>
      %swap3A_363 = vector.shape_cast %get3A_359 : vector<16xf32> to vector<1x16xf32>
      tpu.vector_store %arg9[%swap3A, %swap3A_360], %swap3A_363 {add = true, strides = array<i32>} : memref<320x64xf32, #tpu.memory_space<vmem>>, vector<1x16xf32>,
      %mul3A_364 = arith.constant 2 : i32
      %mul3A_365 = arith.muli %mul3A_364, %scan3A_347 : i32
      %add3A_366 = arith.constant 0 : i32
      %add3A_367 = arith.addi %mul3A_365, %add3A_366 : i32
      %mul3A_368 = arith.constant 2 : i32
      %mul3A_369 = arith.muli %mul3A_368, %scan3A_347 : i32
      %add3A_370 = arith.constant 0 : i32
      %add3A_371 = arith.addi %mul3A_369, %add3A_370 : i32
      %get3A_372 = arith.index_cast %add3A_371 : i32 to index
      %get3A_373 = arith.constant 16 : index
      %get3A_374 = tpu.vector_load %arg11[%get3A_372, %get3A_373] {strides = array<i32>} : memref<320x64xf32, #tpu.memory_space<vmem>>, vector<1x16xf32>,
      %get3A_375 = vector.shape_cast %get3A_374 : vector<1x16xf32> to vector<16xf32>
      %swap3A_376 = arith.index_cast %add3A_367 : i32 to index
      %swap3A_377 = arith.constant 16 : index
      %swap3A_378 = tpu.vector_load %arg9[%swap3A_376, %swap3A_377] {strides = array<i32>} : memref<320x64xf32, #tpu.memory_space<vmem>>, vector<1x16xf32>,
      %swap3A_379 = vector.shape_cast %swap3A_378 : vector<1x16xf32> to vector<16xf32>
      %swap3A_380 = vector.shape_cast %get3A_375 : vector<16xf32> to vector<1x16xf32>
      tpu.vector_store %arg9[%swap3A_376, %swap3A_377], %swap3A_380 {add = true, strides = array<i32>} : memref<320x64xf32, #tpu.memory_space<vmem>>, vector<1x16xf32>,
      %mul3A_381 = arith.constant 2 : i32
      %mul3A_382 = arith.muli %mul3A_381, %scan3A_347 : i32
      %add3A_383 = arith.constant 0 : i32
      %add3A_384 = arith.addi %mul3A_382, %add3A_383 : i32
      %mul3A_385 = arith.constant 2 : i32
      %mul3A_386 = arith.muli %mul3A_385, %scan3A_347 : i32
      %add3A_387 = arith.constant 0 : i32
      %add3A_388 = arith.addi %mul3A_386, %add3A_387 : i32
      %get3A_389 = arith.index_cast %add3A_388 : i32 to index
      %get3A_390 = arith.constant 32 : index
      %get3A_391 = tpu.vector_load %arg11[%get3A_389, %get3A_390] {strides = array<i32>} : memref<320x64xf32, #tpu.memory_space<vmem>>, vector<1x16xf32>,
      %get3A_392 = vector.shape_cast %get3A_391 : vector<1x16xf32> to vector<16xf32>
      %swap3A_393 = arith.index_cast %add3A_384 : i32 to index
      %swap3A_394 = arith.constant 32 : index
      %swap3A_395 = tpu.vector_load %arg9[%swap3A_393, %swap3A_394] {strides = array<i32>} : memref<320x64xf32, #tpu.memory_space<vmem>>, vector<1x16xf32>,
      %swap3A_396 = vector.shape_cast %swap3A_395 : vector<1x16xf32> to vector<16xf32>
      %swap3A_397 = vector.shape_cast %get3A_392 : vector<16xf32> to vector<1x16xf32>
      tpu.vector_store %arg9[%swap3A_393, %swap3A_394], %swap3A_397 {add = true, strides = array<i32>} : memref<320x64xf32, #tpu.memory_space<vmem>>, vector<1x16xf32>,
      %mul3A_398 = arith.constant 2 : i32
      %mul3A_399 = arith.muli %mul3A_398, %scan3A_347 : i32
      %add3A_400 = arith.constant 0 : i32
      %add3A_401 = arith.addi %mul3A_399, %add3A_400 : i32
      %mul3A_402 = arith.constant 2 : i32
      %mul3A_403 = arith.muli %mul3A_402, %scan3A_347 : i32
      %add3A_404 = arith.constant 0 : i32
      %add3A_405 = arith.addi %mul3A_403, %add3A_404 : i32
      %get3A_406 = arith.index_cast %add3A_405 : i32 to index
      %get3A_407 = arith.constant 48 : index
      %get3A_408 = tpu.vector_load %arg11[%get3A_406, %get3A_407] {strides = array<i32>} : memref<320x64xf32, #tpu.memory_space<vmem>>, vector<1x16xf32>,
      %get3A_409 = vector.shape_cast %get3A_408 : vector<1x16xf32> to vector<16xf32>
      %swap3A_410 = arith.index_cast %add3A_401 : i32 to index
      %swap3A_411 = arith.constant 48 : index
      %swap3A_412 = tpu.vector_load %arg9[%swap3A_410, %swap3A_411] {strides = array<i32>} : memref<320x64xf32, #tpu.memory_space<vmem>>, vector<1x16xf32>,
      %swap3A_413 = vector.shape_cast %swap3A_412 : vector<1x16xf32> to vector<16xf32>
      %swap3A_414 = vector.shape_cast %get3A_409 : vector<16xf32> to vector<1x16xf32>
      tpu.vector_store %arg9[%swap3A_410, %swap3A_411], %swap3A_414 {add = true, strides = array<i32>} : memref<320x64xf32, #tpu.memory_space<vmem>>, vector<1x16xf32>,
      %mul3A_415 = arith.constant 2 : i32
      %mul3A_416 = arith.muli %mul3A_415, %scan3A_347 : i32
      %add3A_417 = arith.constant 1 : i32
      %add3A_418 = arith.addi %mul3A_416, %add3A_417 : i32
      %mul3A_419 = arith.constant 2 : i32
      %mul3A_420 = arith.muli %mul3A_419, %scan3A_347 : i32
      %add3A_421 = arith.constant 1 : i32
      %add3A_422 = arith.addi %mul3A_420, %add3A_421 : i32
      %get3A_423 = arith.index_cast %add3A_422 : i32 to index
      %get3A_424 = arith.constant 0 : index
      %get3A_425 = tpu.vector_load %arg11[%get3A_423, %get3A_424] {strides = array<i32>} : memref<320x64xf32, #tpu.memory_space<vmem>>, vector<1x16xf32>,
      %get3A_426 = vector.shape_cast %get3A_425 : vector<1x16xf32> to vector<16xf32>
      %swap3A_427 = arith.index_cast %add3A_418 : i32 to index
      %swap3A_428 = arith.constant 0 : index
      %swap3A_429 = tpu.vector_load %arg9[%swap3A_427, %swap3A_428] {strides = array<i32>} : memref<320x64xf32, #tpu.memory_space<vmem>>, vector<1x16xf32>,
      %swap3A_430 = vector.shape_cast %swap3A_429 : vector<1x16xf32> to vector<16xf32>
      %swap3A_431 = vector.shape_cast %get3A_426 : vector<16xf32> to vector<1x16xf32>
      tpu.vector_store %arg9[%swap3A_427, %swap3A_428], %swap3A_431 {add = true, strides = array<i32>} : memref<320x64xf32, #tpu.memory_space<vmem>>, vector<1x16xf32>,
      %mul3A_432 = arith.constant 2 : i32
      %mul3A_433 = arith.muli %mul3A_432, %scan3A_347 : i32
      %add3A_434 = arith.constant 1 : i32
      %add3A_435 = arith.addi %mul3A_433, %add3A_434 : i32
      %mul3A_436 = arith.constant 2 : i32
      %mul3A_437 = arith.muli %mul3A_436, %scan3A_347 : i32
      %add3A_438 = arith.constant 1 : i32
      %add3A_439 = arith.addi %mul3A_437, %add3A_438 : i32
      %get3A_440 = arith.index_cast %add3A_439 : i32 to index
      %get3A_441 = arith.constant 16 : index
      %get3A_442 = tpu.vector_load %arg11[%get3A_440, %get3A_441] {strides = array<i32>} : memref<320x64xf32, #tpu.memory_space<vmem>>, vector<1x16xf32>,
      %get3A_443 = vector.shape_cast %get3A_442 : vector<1x16xf32> to vector<16xf32>
      %swap3A_444 = arith.index_cast %add3A_435 : i32 to index
      %swap3A_445 = arith.constant 16 : index
      %swap3A_446 = tpu.vector_load %arg9[%swap3A_444, %swap3A_445] {strides = array<i32>} : memref<320x64xf32, #tpu.memory_space<vmem>>, vector<1x16xf32>,
      %swap3A_447 = vector.shape_cast %swap3A_446 : vector<1x16xf32> to vector<16xf32>
      %swap3A_448 = vector.shape_cast %get3A_443 : vector<16xf32> to vector<1x16xf32>
      tpu.vector_store %arg9[%swap3A_444, %swap3A_445], %swap3A_448 {add = true, strides = array<i32>} : memref<320x64xf32, #tpu.memory_space<vmem>>, vector<1x16xf32>,
      %mul3A_449 = arith.constant 2 : i32
      %mul3A_450 = arith.muli %mul3A_449, %scan3A_347 : i32
      %add3A_451 = arith.constant 1 : i32
      %add3A_452 = arith.addi %mul3A_450, %add3A_451 : i32
      %mul3A_453 = arith.constant 2 : i32
      %mul3A_454 = arith.muli %mul3A_453, %scan3A_347 : i32
      %add3A_455 = arith.constant 1 : i32
      %add3A_456 = arith.addi %mul3A_454, %add3A_455 : i32
      %get3A_457 = arith.index_cast %add3A_456 : i32 to index
      %get3A_458 = arith.constant 32 : index
      %get3A_459 = tpu.vector_load %arg11[%get3A_457, %get3A_458] {strides = array<i32>} : memref<320x64xf32, #tpu.memory_space<vmem>>, vector<1x16xf32>,
      %get3A_460 = vector.shape_cast %get3A_459 : vector<1x16xf32> to vector<16xf32>
      %swap3A_461 = arith.index_cast %add3A_452 : i32 to index
      %swap3A_462 = arith.constant 32 : index
      %swap3A_463 = tpu.vector_load %arg9[%swap3A_461, %swap3A_462] {strides = array<i32>} : memref<320x64xf32, #tpu.memory_space<vmem>>, vector<1x16xf32>,
      %swap3A_464 = vector.shape_cast %swap3A_463 : vector<1x16xf32> to vector<16xf32>
      %swap3A_465 = vector.shape_cast %get3A_460 : vector<16xf32> to vector<1x16xf32>
      tpu.vector_store %arg9[%swap3A_461, %swap3A_462], %swap3A_465 {add = true, strides = array<i32>} : memref<320x64xf32, #tpu.memory_space<vmem>>, vector<1x16xf32>,
      %mul3A_466 = arith.constant 2 : i32
      %mul3A_467 = arith.muli %mul3A_466, %scan3A_347 : i32
      %add3A_468 = arith.constant 1 : i32
      %add3A_469 = arith.addi %mul3A_467, %add3A_468 : i32
      %mul3A_470 = arith.constant 2 : i32
      %mul3A_471 = arith.muli %mul3A_470, %scan3A_347 : i32
      %add3A_472 = arith.constant 1 : i32
      %add3A_473 = arith.addi %mul3A_471, %add3A_472 : i32
      %get3A_474 = arith.index_cast %add3A_473 : i32 to index
      %get3A_475 = arith.constant 48 : index
      %get3A_476 = tpu.vector_load %arg11[%get3A_474, %get3A_475] {strides = array<i32>} : memref<320x64xf32, #tpu.memory_space<vmem>>, vector<1x16xf32>,
      %get3A_477 = vector.shape_cast %get3A_476 : vector<1x16xf32> to vector<16xf32>
      %swap3A_478 = arith.index_cast %add3A_469 : i32 to index
      %swap3A_479 = arith.constant 48 : index
      %swap3A_480 = tpu.vector_load %arg9[%swap3A_478, %swap3A_479] {strides = array<i32>} : memref<320x64xf32, #tpu.memory_space<vmem>>, vector<1x16xf32>,
      %swap3A_481 = vector.shape_cast %swap3A_480 : vector<1x16xf32> to vector<16xf32>
      %swap3A_482 = vector.shape_cast %get3A_477 : vector<16xf32> to vector<1x16xf32>
      tpu.vector_store %arg9[%swap3A_478, %swap3A_479], %swap3A_482 {add = true, strides = array<i32>} : memref<320x64xf32, #tpu.memory_space<vmem>>, vector<1x16xf32>,
      %scan3A_483 = arith.constant 0 : i32
      scf.yield %scan3A_483 : i32
    }
    %scan3A_251 = arith.constant 160 : i32
    %mul3A_252 = arith.constant 6400 : i32
    %mul3A_253 = arith.muli %add3A, %mul3A_252 : i32
    %add3A_254 = arith.constant 5760 : i32
    %add3A_255 = arith.addi %mul3A_253, %add3A_254 : i32
    "tpu.region"() ({
      %run_scoped3A = tpu.sem_alloc : memref<!tpu.dma_semaphore, #tpu.memory_space<semaphore_mem>>
      %dma_start3A_347 = arith.constant 0 : i32
      %dma_start3A_348 = tpu.memref_slice %arg6[%add3A_255, %dma_start3A_347] : memref<204800x64xf32, #tpu.memory_space<hbm>> -> memref<320x64xf32, #tpu.memory_space<hbm>>
      %dma_start3A_349 = arith.constant 0 : i32
      %dma_start3A_350 = tpu.memref_slice %arg6[%add3A_255, %dma_start3A_349] : memref<204800x64xf32, #tpu.memory_space<hbm>> -> memref<320x64xf32, #tpu.memory_space<hbm>>
      tpu.enqueue_dma source(%arg9 : memref<320x64xf32, #tpu.memory_space<vmem>>) target(%dma_start3A_350 : memref<320x64xf32, #tpu.memory_space<hbm>>) target_semaphore(%run_scoped3A : memref<!tpu.dma_semaphore, #tpu.memory_space<semaphore_mem>>)
      %dma_wait3A_351 = arith.constant 0 : i32
      %dma_wait3A_352 = tpu.memref_slice %arg6[%add3A_255, %dma_wait3A_351] : memref<204800x64xf32, #tpu.memory_space<hbm>> -> memref<320x64xf32, #tpu.memory_space<hbm>>
      %dma_wait3A_353 = arith.constant 0 : i32
      %dma_wait3A_354 = tpu.memref_slice %arg6[%add3A_255, %dma_wait3A_353] : memref<204800x64xf32, #tpu.memory_space<hbm>> -> memref<320x64xf32, #tpu.memory_space<hbm>>
      tpu.wait_dma2 semaphore(%run_scoped3A : memref<!tpu.dma_semaphore, #tpu.memory_space<semaphore_mem>>) src(%arg9 : memref<320x64xf32, #tpu.memory_space<vmem>>) dst(%dma_wait3A_354 : memref<320x64xf32, #tpu.memory_space<hbm>>)
      tpu.yield
    }) : () -> ()
    %dma_wait3A_256 = arith.constant 0 : i32
    %dma_wait3A_257 = arith.constant 0 : i32
    %dma_wait3A_258 = arith.constant 0 : i32
    %dma_wait3A_259 = tpu.memref_slice %arg10[%dma_wait3A_257, %dma_wait3A_258] : memref<320x64xf32, #tpu.memory_space<vmem>> -> memref<80x64xf32, #tpu.memory_space<vmem>>
    %dma_wait3A_260 = arith.constant 0 : i32
    %dma_wait3A_261 = tpu.memref_slice %arg7[%dma_wait3A_256, %dma_wait3A_260] : memref<80x80xi32, #tpu.memory_space<vmem>> -> memref<1x80xi32, #tpu.memory_space<vmem>>
    %dma_wait3A_262 = tpu.memref_squeeze %dma_wait3A_261 : memref<1x80xi32, #tpu.memory_space<vmem>> -> memref<80xi32, #tpu.memory_space<vmem>>
    %dma_wait3A_263 = arith.constant 0 : i32
    %dma_wait3A_264 = arith.constant 0 : i32
    %dma_wait3A_265 = tpu.memref_slice %arg4[%dma_wait3A_263, %dma_wait3A_264] : memref<1000000x64xf32, #tpu.memory_space<hbm>> -> memref<1000000x64xf32, #tpu.memory_space<hbm>>
    tpu.wait_indirect_dma semaphore(%arg14 : memref<!tpu.dma_semaphore, #tpu.memory_space<semaphore_mem>>) src(%dma_wait3A_265 : memref<1000000x64xf32, #tpu.memory_space<hbm>>) dst(%dma_wait3A_259 : memref<80x64xf32, #tpu.memory_space<vmem>>)
    %dma_wait3A_266 = arith.constant 0 : i32
    %dma_wait3A_267 = arith.constant 0 : i32
    %dma_wait3A_268 = arith.constant 0 : i32
    %dma_wait3A_269 = tpu.memref_slice %arg12[%dma_wait3A_267, %dma_wait3A_268] : memref<320x64xf32, #tpu.memory_space<vmem>> -> memref<80x64xf32, #tpu.memory_space<vmem>>
    %dma_wait3A_270 = arith.constant 0 : i32
    %dma_wait3A_271 = tpu.memref_slice %arg8[%dma_wait3A_266, %dma_wait3A_270] : memref<80x80xi32, #tpu.memory_space<vmem>> -> memref<1x80xi32, #tpu.memory_space<vmem>>
    %dma_wait3A_272 = tpu.memref_squeeze %dma_wait3A_271 : memref<1x80xi32, #tpu.memory_space<vmem>> -> memref<80xi32, #tpu.memory_space<vmem>>
    %dma_wait3A_273 = arith.constant 0 : i32
    %dma_wait3A_274 = arith.constant 0 : i32
    %dma_wait3A_275 = tpu.memref_slice %arg5[%dma_wait3A_273, %dma_wait3A_274] : memref<201x64xf32, #tpu.memory_space<hbm>> -> memref<201x64xf32, #tpu.memory_space<hbm>>
    tpu.wait_indirect_dma semaphore(%arg14 : memref<!tpu.dma_semaphore, #tpu.memory_space<semaphore_mem>>) src(%dma_wait3A_275 : memref<201x64xf32, #tpu.memory_space<hbm>>) dst(%dma_wait3A_269 : memref<80x64xf32, #tpu.memory_space<vmem>>)
    %dma_wait3A_276 = arith.constant 1 : i32
    %dma_wait3A_277 = arith.constant 80 : i32
    %dma_wait3A_278 = arith.constant 0 : i32
    %dma_wait3A_279 = tpu.memref_slice %arg10[%dma_wait3A_277, %dma_wait3A_278] : memref<320x64xf32, #tpu.memory_space<vmem>> -> memref<80x64xf32, #tpu.memory_space<vmem>>
    %dma_wait3A_280 = arith.constant 0 : i32
    %dma_wait3A_281 = tpu.memref_slice %arg7[%dma_wait3A_276, %dma_wait3A_280] : memref<80x80xi32, #tpu.memory_space<vmem>> -> memref<1x80xi32, #tpu.memory_space<vmem>>
    %dma_wait3A_282 = tpu.memref_squeeze %dma_wait3A_281 : memref<1x80xi32, #tpu.memory_space<vmem>> -> memref<80xi32, #tpu.memory_space<vmem>>
    %dma_wait3A_283 = arith.constant 0 : i32
    %dma_wait3A_284 = arith.constant 0 : i32
    %dma_wait3A_285 = tpu.memref_slice %arg4[%dma_wait3A_283, %dma_wait3A_284] : memref<1000000x64xf32, #tpu.memory_space<hbm>> -> memref<1000000x64xf32, #tpu.memory_space<hbm>>
    tpu.wait_indirect_dma semaphore(%arg14 : memref<!tpu.dma_semaphore, #tpu.memory_space<semaphore_mem>>) src(%dma_wait3A_285 : memref<1000000x64xf32, #tpu.memory_space<hbm>>) dst(%dma_wait3A_279 : memref<80x64xf32, #tpu.memory_space<vmem>>)
    %dma_wait3A_286 = arith.constant 1 : i32
    %dma_wait3A_287 = arith.constant 80 : i32
    %dma_wait3A_288 = arith.constant 0 : i32
    %dma_wait3A_289 = tpu.memref_slice %arg12[%dma_wait3A_287, %dma_wait3A_288] : memref<320x64xf32, #tpu.memory_space<vmem>> -> memref<80x64xf32, #tpu.memory_space<vmem>>
    %dma_wait3A_290 = arith.constant 0 : i32
    %dma_wait3A_291 = tpu.memref_slice %arg8[%dma_wait3A_286, %dma_wait3A_290] : memref<80x80xi32, #tpu.memory_space<vmem>> -> memref<1x80xi32, #tpu.memory_space<vmem>>
    %dma_wait3A_292 = tpu.memref_squeeze %dma_wait3A_291 : memref<1x80xi32, #tpu.memory_space<vmem>> -> memref<80xi32, #tpu.memory_space<vmem>>
    %dma_wait3A_293 = arith.constant 0 : i32
    %dma_wait3A_294 = arith.constant 0 : i32
    %dma_wait3A_295 = tpu.memref_slice %arg5[%dma_wait3A_293, %dma_wait3A_294] : memref<201x64xf32, #tpu.memory_space<hbm>> -> memref<201x64xf32, #tpu.memory_space<hbm>>
    tpu.wait_indirect_dma semaphore(%arg14 : memref<!tpu.dma_semaphore, #tpu.memory_space<semaphore_mem>>) src(%dma_wait3A_295 : memref<201x64xf32, #tpu.memory_space<hbm>>) dst(%dma_wait3A_289 : memref<80x64xf32, #tpu.memory_space<vmem>>)
    %dma_wait3A_296 = arith.constant 2 : i32
    %dma_wait3A_297 = arith.constant 160 : i32
    %dma_wait3A_298 = arith.constant 0 : i32
    %dma_wait3A_299 = tpu.memref_slice %arg10[%dma_wait3A_297, %dma_wait3A_298] : memref<320x64xf32, #tpu.memory_space<vmem>> -> memref<80x64xf32, #tpu.memory_space<vmem>>
    %dma_wait3A_300 = arith.constant 0 : i32
    %dma_wait3A_301 = tpu.memref_slice %arg7[%dma_wait3A_296, %dma_wait3A_300] : memref<80x80xi32, #tpu.memory_space<vmem>> -> memref<1x80xi32, #tpu.memory_space<vmem>>
    %dma_wait3A_302 = tpu.memref_squeeze %dma_wait3A_301 : memref<1x80xi32, #tpu.memory_space<vmem>> -> memref<80xi32, #tpu.memory_space<vmem>>
    %dma_wait3A_303 = arith.constant 0 : i32
    %dma_wait3A_304 = arith.constant 0 : i32
    %dma_wait3A_305 = tpu.memref_slice %arg4[%dma_wait3A_303, %dma_wait3A_304] : memref<1000000x64xf32, #tpu.memory_space<hbm>> -> memref<1000000x64xf32, #tpu.memory_space<hbm>>
    tpu.wait_indirect_dma semaphore(%arg14 : memref<!tpu.dma_semaphore, #tpu.memory_space<semaphore_mem>>) src(%dma_wait3A_305 : memref<1000000x64xf32, #tpu.memory_space<hbm>>) dst(%dma_wait3A_299 : memref<80x64xf32, #tpu.memory_space<vmem>>)
    %dma_wait3A_306 = arith.constant 2 : i32
    %dma_wait3A_307 = arith.constant 160 : i32
    %dma_wait3A_308 = arith.constant 0 : i32
    %dma_wait3A_309 = tpu.memref_slice %arg12[%dma_wait3A_307, %dma_wait3A_308] : memref<320x64xf32, #tpu.memory_space<vmem>> -> memref<80x64xf32, #tpu.memory_space<vmem>>
    %dma_wait3A_310 = arith.constant 0 : i32
    %dma_wait3A_311 = tpu.memref_slice %arg8[%dma_wait3A_306, %dma_wait3A_310] : memref<80x80xi32, #tpu.memory_space<vmem>> -> memref<1x80xi32, #tpu.memory_space<vmem>>
    %dma_wait3A_312 = tpu.memref_squeeze %dma_wait3A_311 : memref<1x80xi32, #tpu.memory_space<vmem>> -> memref<80xi32, #tpu.memory_space<vmem>>
    %dma_wait3A_313 = arith.constant 0 : i32
    %dma_wait3A_314 = arith.constant 0 : i32
    %dma_wait3A_315 = tpu.memref_slice %arg5[%dma_wait3A_313, %dma_wait3A_314] : memref<201x64xf32, #tpu.memory_space<hbm>> -> memref<201x64xf32, #tpu.memory_space<hbm>>
    tpu.wait_indirect_dma semaphore(%arg14 : memref<!tpu.dma_semaphore, #tpu.memory_space<semaphore_mem>>) src(%dma_wait3A_315 : memref<201x64xf32, #tpu.memory_space<hbm>>) dst(%dma_wait3A_309 : memref<80x64xf32, #tpu.memory_space<vmem>>)
    %dma_wait3A_316 = arith.constant 3 : i32
    %dma_wait3A_317 = arith.constant 240 : i32
    %dma_wait3A_318 = arith.constant 0 : i32
    %dma_wait3A_319 = tpu.memref_slice %arg10[%dma_wait3A_317, %dma_wait3A_318] : memref<320x64xf32, #tpu.memory_space<vmem>> -> memref<80x64xf32, #tpu.memory_space<vmem>>
    %dma_wait3A_320 = arith.constant 0 : i32
    %dma_wait3A_321 = tpu.memref_slice %arg7[%dma_wait3A_316, %dma_wait3A_320] : memref<80x80xi32, #tpu.memory_space<vmem>> -> memref<1x80xi32, #tpu.memory_space<vmem>>
    %dma_wait3A_322 = tpu.memref_squeeze %dma_wait3A_321 : memref<1x80xi32, #tpu.memory_space<vmem>> -> memref<80xi32, #tpu.memory_space<vmem>>
    %dma_wait3A_323 = arith.constant 0 : i32
    %dma_wait3A_324 = arith.constant 0 : i32
    %dma_wait3A_325 = tpu.memref_slice %arg4[%dma_wait3A_323, %dma_wait3A_324] : memref<1000000x64xf32, #tpu.memory_space<hbm>> -> memref<1000000x64xf32, #tpu.memory_space<hbm>>
    tpu.wait_indirect_dma semaphore(%arg14 : memref<!tpu.dma_semaphore, #tpu.memory_space<semaphore_mem>>) src(%dma_wait3A_325 : memref<1000000x64xf32, #tpu.memory_space<hbm>>) dst(%dma_wait3A_319 : memref<80x64xf32, #tpu.memory_space<vmem>>)
    %dma_wait3A_326 = arith.constant 3 : i32
    %dma_wait3A_327 = arith.constant 240 : i32
    %dma_wait3A_328 = arith.constant 0 : i32
    %dma_wait3A_329 = tpu.memref_slice %arg12[%dma_wait3A_327, %dma_wait3A_328] : memref<320x64xf32, #tpu.memory_space<vmem>> -> memref<80x64xf32, #tpu.memory_space<vmem>>
    %dma_wait3A_330 = arith.constant 0 : i32
    %dma_wait3A_331 = tpu.memref_slice %arg8[%dma_wait3A_326, %dma_wait3A_330] : memref<80x80xi32, #tpu.memory_space<vmem>> -> memref<1x80xi32, #tpu.memory_space<vmem>>
    %dma_wait3A_332 = tpu.memref_squeeze %dma_wait3A_331 : memref<1x80xi32, #tpu.memory_space<vmem>> -> memref<80xi32, #tpu.memory_space<vmem>>
    %dma_wait3A_333 = arith.constant 0 : i32
    %dma_wait3A_334 = arith.constant 0 : i32
    %dma_wait3A_335 = tpu.memref_slice %arg5[%dma_wait3A_333, %dma_wait3A_334] : memref<201x64xf32, #tpu.memory_space<hbm>> -> memref<201x64xf32, #tpu.memory_space<hbm>>
    tpu.wait_indirect_dma semaphore(%arg14 : memref<!tpu.dma_semaphore, #tpu.memory_space<semaphore_mem>>) src(%dma_wait3A_335 : memref<201x64xf32, #tpu.memory_space<hbm>>) dst(%dma_wait3A_329 : memref<80x64xf32, #tpu.memory_space<vmem>>)
    %scan3A_336 = arith.constant 0 : i32
    %scan3A_337 = arith.constant 0 : i32
    %scan3A_338 = arith.constant 160 : i32
    %scan3A_339 = arith.addi %scan3A_337, %scan3A_338 : i32
    %scan3A_340 = arith.constant 1 : i32
    %scan3A_341 = scf.for %scan3A_347 = %scan3A_337 to %scan3A_339 step %scan3A_340 iter_args(%scan3A_348 = %scan3A_336) -> (i32)  : i32 {
      %mul3A_349 = arith.constant 2 : i32
      %mul3A_350 = arith.muli %mul3A_349, %scan3A_347 : i32
      %add3A_351 = arith.constant 0 : i32
      %add3A_352 = arith.addi %mul3A_350, %add3A_351 : i32
      %mul3A_353 = arith.constant 2 : i32
      %mul3A_354 = arith.muli %mul3A_353, %scan3A_347 : i32
      %add3A_355 = arith.constant 0 : i32
      %add3A_356 = arith.addi %mul3A_354, %add3A_355 : i32
      %get3A = arith.index_cast %add3A_356 : i32 to index
      %get3A_357 = arith.constant 0 : index
      %get3A_358 = tpu.vector_load %arg12[%get3A, %get3A_357] {strides = array<i32>} : memref<320x64xf32, #tpu.memory_space<vmem>>, vector<1x16xf32>,
      %get3A_359 = vector.shape_cast %get3A_358 : vector<1x16xf32> to vector<16xf32>
      %swap3A = arith.index_cast %add3A_352 : i32 to index
      %swap3A_360 = arith.constant 0 : index
      %swap3A_361 = tpu.vector_load %arg10[%swap3A, %swap3A_360] {strides = array<i32>} : memref<320x64xf32, #tpu.memory_space<vmem>>, vector<1x16xf32>,
      %swap3A_362 = vector.shape_cast %swap3A_361 : vector<1x16xf32> to vector<16xf32>
      %swap3A_363 = vector.shape_cast %get3A_359 : vector<16xf32> to vector<1x16xf32>
      tpu.vector_store %arg10[%swap3A, %swap3A_360], %swap3A_363 {add = true, strides = array<i32>} : memref<320x64xf32, #tpu.memory_space<vmem>>, vector<1x16xf32>,
      %mul3A_364 = arith.constant 2 : i32
      %mul3A_365 = arith.muli %mul3A_364, %scan3A_347 : i32
      %add3A_366 = arith.constant 0 : i32
      %add3A_367 = arith.addi %mul3A_365, %add3A_366 : i32
      %mul3A_368 = arith.constant 2 : i32
      %mul3A_369 = arith.muli %mul3A_368, %scan3A_347 : i32
      %add3A_370 = arith.constant 0 : i32
      %add3A_371 = arith.addi %mul3A_369, %add3A_370 : i32
      %get3A_372 = arith.index_cast %add3A_371 : i32 to index
      %get3A_373 = arith.constant 16 : index
      %get3A_374 = tpu.vector_load %arg12[%get3A_372, %get3A_373] {strides = array<i32>} : memref<320x64xf32, #tpu.memory_space<vmem>>, vector<1x16xf32>,
      %get3A_375 = vector.shape_cast %get3A_374 : vector<1x16xf32> to vector<16xf32>
      %swap3A_376 = arith.index_cast %add3A_367 : i32 to index
      %swap3A_377 = arith.constant 16 : index
      %swap3A_378 = tpu.vector_load %arg10[%swap3A_376, %swap3A_377] {strides = array<i32>} : memref<320x64xf32, #tpu.memory_space<vmem>>, vector<1x16xf32>,
      %swap3A_379 = vector.shape_cast %swap3A_378 : vector<1x16xf32> to vector<16xf32>
      %swap3A_380 = vector.shape_cast %get3A_375 : vector<16xf32> to vector<1x16xf32>
      tpu.vector_store %arg10[%swap3A_376, %swap3A_377], %swap3A_380 {add = true, strides = array<i32>} : memref<320x64xf32, #tpu.memory_space<vmem>>, vector<1x16xf32>,
      %mul3A_381 = arith.constant 2 : i32
      %mul3A_382 = arith.muli %mul3A_381, %scan3A_347 : i32
      %add3A_383 = arith.constant 0 : i32
      %add3A_384 = arith.addi %mul3A_382, %add3A_383 : i32
      %mul3A_385 = arith.constant 2 : i32
      %mul3A_386 = arith.muli %mul3A_385, %scan3A_347 : i32
      %add3A_387 = arith.constant 0 : i32
      %add3A_388 = arith.addi %mul3A_386, %add3A_387 : i32
      %get3A_389 = arith.index_cast %add3A_388 : i32 to index
      %get3A_390 = arith.constant 32 : index
      %get3A_391 = tpu.vector_load %arg12[%get3A_389, %get3A_390] {strides = array<i32>} : memref<320x64xf32, #tpu.memory_space<vmem>>, vector<1x16xf32>,
      %get3A_392 = vector.shape_cast %get3A_391 : vector<1x16xf32> to vector<16xf32>
      %swap3A_393 = arith.index_cast %add3A_384 : i32 to index
      %swap3A_394 = arith.constant 32 : index
      %swap3A_395 = tpu.vector_load %arg10[%swap3A_393, %swap3A_394] {strides = array<i32>} : memref<320x64xf32, #tpu.memory_space<vmem>>, vector<1x16xf32>,
      %swap3A_396 = vector.shape_cast %swap3A_395 : vector<1x16xf32> to vector<16xf32>
      %swap3A_397 = vector.shape_cast %get3A_392 : vector<16xf32> to vector<1x16xf32>
      tpu.vector_store %arg10[%swap3A_393, %swap3A_394], %swap3A_397 {add = true, strides = array<i32>} : memref<320x64xf32, #tpu.memory_space<vmem>>, vector<1x16xf32>,
      %mul3A_398 = arith.constant 2 : i32
      %mul3A_399 = arith.muli %mul3A_398, %scan3A_347 : i32
      %add3A_400 = arith.constant 0 : i32
      %add3A_401 = arith.addi %mul3A_399, %add3A_400 : i32
      %mul3A_402 = arith.constant 2 : i32
      %mul3A_403 = arith.muli %mul3A_402, %scan3A_347 : i32
      %add3A_404 = arith.constant 0 : i32
      %add3A_405 = arith.addi %mul3A_403, %add3A_404 : i32
      %get3A_406 = arith.index_cast %add3A_405 : i32 to index
      %get3A_407 = arith.constant 48 : index
      %get3A_408 = tpu.vector_load %arg12[%get3A_406, %get3A_407] {strides = array<i32>} : memref<320x64xf32, #tpu.memory_space<vmem>>, vector<1x16xf32>,
      %get3A_409 = vector.shape_cast %get3A_408 : vector<1x16xf32> to vector<16xf32>
      %swap3A_410 = arith.index_cast %add3A_401 : i32 to index
      %swap3A_411 = arith.constant 48 : index
      %swap3A_412 = tpu.vector_load %arg10[%swap3A_410, %swap3A_411] {strides = array<i32>} : memref<320x64xf32, #tpu.memory_space<vmem>>, vector<1x16xf32>,
      %swap3A_413 = vector.shape_cast %swap3A_412 : vector<1x16xf32> to vector<16xf32>
      %swap3A_414 = vector.shape_cast %get3A_409 : vector<16xf32> to vector<1x16xf32>
      tpu.vector_store %arg10[%swap3A_410, %swap3A_411], %swap3A_414 {add = true, strides = array<i32>} : memref<320x64xf32, #tpu.memory_space<vmem>>, vector<1x16xf32>,
      %mul3A_415 = arith.constant 2 : i32
      %mul3A_416 = arith.muli %mul3A_415, %scan3A_347 : i32
      %add3A_417 = arith.constant 1 : i32
      %add3A_418 = arith.addi %mul3A_416, %add3A_417 : i32
      %mul3A_419 = arith.constant 2 : i32
      %mul3A_420 = arith.muli %mul3A_419, %scan3A_347 : i32
      %add3A_421 = arith.constant 1 : i32
      %add3A_422 = arith.addi %mul3A_420, %add3A_421 : i32
      %get3A_423 = arith.index_cast %add3A_422 : i32 to index
      %get3A_424 = arith.constant 0 : index
      %get3A_425 = tpu.vector_load %arg12[%get3A_423, %get3A_424] {strides = array<i32>} : memref<320x64xf32, #tpu.memory_space<vmem>>, vector<1x16xf32>,
      %get3A_426 = vector.shape_cast %get3A_425 : vector<1x16xf32> to vector<16xf32>
      %swap3A_427 = arith.index_cast %add3A_418 : i32 to index
      %swap3A_428 = arith.constant 0 : index
      %swap3A_429 = tpu.vector_load %arg10[%swap3A_427, %swap3A_428] {strides = array<i32>} : memref<320x64xf32, #tpu.memory_space<vmem>>, vector<1x16xf32>,
      %swap3A_430 = vector.shape_cast %swap3A_429 : vector<1x16xf32> to vector<16xf32>
      %swap3A_431 = vector.shape_cast %get3A_426 : vector<16xf32> to vector<1x16xf32>
      tpu.vector_store %arg10[%swap3A_427, %swap3A_428], %swap3A_431 {add = true, strides = array<i32>} : memref<320x64xf32, #tpu.memory_space<vmem>>, vector<1x16xf32>,
      %mul3A_432 = arith.constant 2 : i32
      %mul3A_433 = arith.muli %mul3A_432, %scan3A_347 : i32
      %add3A_434 = arith.constant 1 : i32
      %add3A_435 = arith.addi %mul3A_433, %add3A_434 : i32
      %mul3A_436 = arith.constant 2 : i32
      %mul3A_437 = arith.muli %mul3A_436, %scan3A_347 : i32
      %add3A_438 = arith.constant 1 : i32
      %add3A_439 = arith.addi %mul3A_437, %add3A_438 : i32
      %get3A_440 = arith.index_cast %add3A_439 : i32 to index
      %get3A_441 = arith.constant 16 : index
      %get3A_442 = tpu.vector_load %arg12[%get3A_440, %get3A_441] {strides = array<i32>} : memref<320x64xf32, #tpu.memory_space<vmem>>, vector<1x16xf32>,
      %get3A_443 = vector.shape_cast %get3A_442 : vector<1x16xf32> to vector<16xf32>
      %swap3A_444 = arith.index_cast %add3A_435 : i32 to index
      %swap3A_445 = arith.constant 16 : index
      %swap3A_446 = tpu.vector_load %arg10[%swap3A_444, %swap3A_445] {strides = array<i32>} : memref<320x64xf32, #tpu.memory_space<vmem>>, vector<1x16xf32>,
      %swap3A_447 = vector.shape_cast %swap3A_446 : vector<1x16xf32> to vector<16xf32>
      %swap3A_448 = vector.shape_cast %get3A_443 : vector<16xf32> to vector<1x16xf32>
      tpu.vector_store %arg10[%swap3A_444, %swap3A_445], %swap3A_448 {add = true, strides = array<i32>} : memref<320x64xf32, #tpu.memory_space<vmem>>, vector<1x16xf32>,
      %mul3A_449 = arith.constant 2 : i32
      %mul3A_450 = arith.muli %mul3A_449, %scan3A_347 : i32
      %add3A_451 = arith.constant 1 : i32
      %add3A_452 = arith.addi %mul3A_450, %add3A_451 : i32
      %mul3A_453 = arith.constant 2 : i32
      %mul3A_454 = arith.muli %mul3A_453, %scan3A_347 : i32
      %add3A_455 = arith.constant 1 : i32
      %add3A_456 = arith.addi %mul3A_454, %add3A_455 : i32
      %get3A_457 = arith.index_cast %add3A_456 : i32 to index
      %get3A_458 = arith.constant 32 : index
      %get3A_459 = tpu.vector_load %arg12[%get3A_457, %get3A_458] {strides = array<i32>} : memref<320x64xf32, #tpu.memory_space<vmem>>, vector<1x16xf32>,
      %get3A_460 = vector.shape_cast %get3A_459 : vector<1x16xf32> to vector<16xf32>
      %swap3A_461 = arith.index_cast %add3A_452 : i32 to index
      %swap3A_462 = arith.constant 32 : index
      %swap3A_463 = tpu.vector_load %arg10[%swap3A_461, %swap3A_462] {strides = array<i32>} : memref<320x64xf32, #tpu.memory_space<vmem>>, vector<1x16xf32>,
      %swap3A_464 = vector.shape_cast %swap3A_463 : vector<1x16xf32> to vector<16xf32>
      %swap3A_465 = vector.shape_cast %get3A_460 : vector<16xf32> to vector<1x16xf32>
      tpu.vector_store %arg10[%swap3A_461, %swap3A_462], %swap3A_465 {add = true, strides = array<i32>} : memref<320x64xf32, #tpu.memory_space<vmem>>, vector<1x16xf32>,
      %mul3A_466 = arith.constant 2 : i32
      %mul3A_467 = arith.muli %mul3A_466, %scan3A_347 : i32
      %add3A_468 = arith.constant 1 : i32
      %add3A_469 = arith.addi %mul3A_467, %add3A_468 : i32
      %mul3A_470 = arith.constant 2 : i32
      %mul3A_471 = arith.muli %mul3A_470, %scan3A_347 : i32
      %add3A_472 = arith.constant 1 : i32
      %add3A_473 = arith.addi %mul3A_471, %add3A_472 : i32
      %get3A_474 = arith.index_cast %add3A_473 : i32 to index
      %get3A_475 = arith.constant 48 : index
      %get3A_476 = tpu.vector_load %arg12[%get3A_474, %get3A_475] {strides = array<i32>} : memref<320x64xf32, #tpu.memory_space<vmem>>, vector<1x16xf32>,
      %get3A_477 = vector.shape_cast %get3A_476 : vector<1x16xf32> to vector<16xf32>
      %swap3A_478 = arith.index_cast %add3A_469 : i32 to index
      %swap3A_479 = arith.constant 48 : index
      %swap3A_480 = tpu.vector_load %arg10[%swap3A_478, %swap3A_479] {strides = array<i32>} : memref<320x64xf32, #tpu.memory_space<vmem>>, vector<1x16xf32>,
      %swap3A_481 = vector.shape_cast %swap3A_480 : vector<1x16xf32> to vector<16xf32>
      %swap3A_482 = vector.shape_cast %get3A_477 : vector<16xf32> to vector<1x16xf32>
      tpu.vector_store %arg10[%swap3A_478, %swap3A_479], %swap3A_482 {add = true, strides = array<i32>} : memref<320x64xf32, #tpu.memory_space<vmem>>, vector<1x16xf32>,
      %scan3A_483 = arith.constant 0 : i32
      scf.yield %scan3A_483 : i32
    }
    %scan3A_342 = arith.constant 160 : i32
    %mul3A_343 = arith.constant 6400 : i32
    %mul3A_344 = arith.muli %add3A, %mul3A_343 : i32
    %add3A_345 = arith.constant 6080 : i32
    %add3A_346 = arith.addi %mul3A_344, %add3A_345 : i32
    "tpu.region"() ({
      %run_scoped3A = tpu.sem_alloc : memref<!tpu.dma_semaphore, #tpu.memory_space<semaphore_mem>>
      %dma_start3A_347 = arith.constant 0 : i32
      %dma_start3A_348 = tpu.memref_slice %arg6[%add3A_346, %dma_start3A_347] : memref<204800x64xf32, #tpu.memory_space<hbm>> -> memref<320x64xf32, #tpu.memory_space<hbm>>
      %dma_start3A_349 = arith.constant 0 : i32
      %dma_start3A_350 = tpu.memref_slice %arg6[%add3A_346, %dma_start3A_349] : memref<204800x64xf32, #tpu.memory_space<hbm>> -> memref<320x64xf32, #tpu.memory_space<hbm>>
      tpu.enqueue_dma source(%arg10 : memref<320x64xf32, #tpu.memory_space<vmem>>) target(%dma_start3A_350 : memref<320x64xf32, #tpu.memory_space<hbm>>) target_semaphore(%run_scoped3A : memref<!tpu.dma_semaphore, #tpu.memory_space<semaphore_mem>>)
      %dma_wait3A_351 = arith.constant 0 : i32
      %dma_wait3A_352 = tpu.memref_slice %arg6[%add3A_346, %dma_wait3A_351] : memref<204800x64xf32, #tpu.memory_space<hbm>> -> memref<320x64xf32, #tpu.memory_space<hbm>>
      %dma_wait3A_353 = arith.constant 0 : i32
      %dma_wait3A_354 = tpu.memref_slice %arg6[%add3A_346, %dma_wait3A_353] : memref<204800x64xf32, #tpu.memory_space<hbm>> -> memref<320x64xf32, #tpu.memory_space<hbm>>
      tpu.wait_dma2 semaphore(%run_scoped3A : memref<!tpu.dma_semaphore, #tpu.memory_space<semaphore_mem>>) src(%arg10 : memref<320x64xf32, #tpu.memory_space<vmem>>) dst(%dma_wait3A_354 : memref<320x64xf32, #tpu.memory_space<hbm>>)
      tpu.yield
    }) : () -> ()
    return
  }
}

</mosaic_0001>

<sc_bundles>
// kernel: kernel.3.cloned.1.call-start
scs
__scs_entry_jumppad:
0x0: {  	(pc) =	sbr.rel $0x88, $3  }
0x1: {  	(tag) =	ssettag $0x0;
	lr =	simm.s32 $0x1  }
0x2: {  	[smem:$0x3F9D] =	sst lr;
	_ =	strace $0xD0000000  }
0x3: {  	_ = 	snop  }
0x4: {  	_ = 	snop  }
0x5: {  	_ = 	snop  }
0x6: {  	_ = 	snop  }
0x7: {  	_ = 	snop  }
__scs_overlays_trampoline_lowered:
0x8: {  	[smem:$0x3FAC] =	sst s0  }
0x9: {  	[smem:$0x3FAD] =	sst s1  }
0xa: {  	[smem:$0x3FAE] =	sst s2  }
0xb: {  	[smem:$0x3FAF] =	sst s3  }
0xc: {  	[smem:$0x3FB0] =	sst s4  }
0xd: {  	[smem:$0x3FB1] =	sst s5  }
0xe: {  	[smem:$0x3FB2] =	sst s6  }
0xf: {  	[smem:$0x3FB3] =	sst s7  }
0x10: {  	[smem:$0x3FB4] =	sst s8  }
0x11: {  	[smem:$0x3FB5] =	sst s9;
	s0 =	simm.s32 @!p0 $0x0  }
0x12: {  	s1 =	sld [smem:$0x3F9B];
	s0 =	simm.s32 @p0 $0x1  }
0x13: {  	[smem:$0x3FB6] =	sst s0;
	s0 =	simm.s32 @!p1 $0x0  }
0x14: {  	s2 =	sld [smem:$0x3F9A];
	s0 =	simm.s32 @p1 $0x1  }
0x15: {  	[smem:$0x3FB7] =	sst s0;
	s0 =	simm.s32 @!p2 $0x0  }
0x16: {  	s3 =	sld [smem:$0x3FDB];
	s0 =	simm.s32 @p2 $0x1  }
0x17: {  	s4 =	simm.s32 $0x1BF5;
	[smem:$0x3FB9] =	sst s0  }
0x18: {  	s0 =	sld [smem:$0x3F9C];
	_ =	swait.ge [sflag:s4], $0x0  }
0x19: {  	s7 =	sld [smem:$0x3F9D]  }
0x1a: {  	s8 =	sadd.s32 $0xFFFFE003, lr  }
0x1b: {  	s9 =	sadd.s32 $0xFFFFFEF7, lr;
	s5 =	simm.s32 $0xFFFFFFFF;
	p2 =	slt.u32 s8, $0xFFFFF086  }
0x1c: {  	p1 =	slt.u32 s9, $0xF7A;
	s5 =	simm.s32 @!p2 $0x0  }
0x1d: {  	s5 =	simm.s32 @p1 $0x1;
	p0 =	seq.s32 s7, s2  }
0x1e: {  	s7 =	smul.u32 @!p0 $0xF7A, s2;
	p2 =	seq.s32 @!p0 s5, $0x0  }
0x1f: {  	s9 =	smul.u32 $0xF7A, s1;
	s8 =	simm.s32 @!p0 $0x1BF5;
	p2 =	por !p2, p0  }
0x20: {  	[sflag:s8] =	ssyncset.s32 @!p0 $0xFFFFF086;
	s6 =	sadd.s32 @!p0 s3, s7;
	s7 =	simm.s32 @!p0 $0x108  }
0x21: {  	s3 =	sadd.s32 s3, s9;
	s6 =	sadd.s32 @!p0 $0x88, s6;
	s7 =	simm.s32 @p2 $0x1082  }
0x22: {  	[simem:s7], [sflag:s8] =	dma.local @!p0 [hbm:s6], $0xF7A  }
0x23: {  	s9 =	sor.u32 $0xD0000000, s2;
	s6 =	simm.s32 $0x108;
	_ =	swait.ge @!p0 [sflag:s8], $0x0  }
0x24: {  	s3 =	sadd.s32 $0x88, s3;
	s6 =	simm.s32 @!p1 $0x1082;
	[sflag:s4] =	ssyncset.s32 $0xFFFFF086  }
0x25: {  	[simem:s6], [sflag:s4] =	dma.local [hbm:s3], $0xF7A  }
0x26: {  	[smem:$0x3F9D] =	sst s1;
	(tag) =	ssettag s2;
	_ =	strace s9  }
0x27: {  	s1 =	sld [smem:$0x3FAD]  }
0x28: {  	s2 =	sld [smem:$0x3FAE]  }
0x29: {  	s4 =	sld [smem:$0x3FB0]  }
0x2a: {  	p0 =	seq.s32 s5, $0x0;
	s5 =	sld [smem:$0x3FB1]  }
0x2b: {  	s6 =	sld [smem:$0x3FB2]  }
0x2c: {  	s7 =	sld [smem:$0x3FB3]  }
0x2d: {  	s3 =	simm.s32 $0x108;
	s8 =	sld [smem:$0x3FB4]  }
0x2e: {  	s3 =	simm.s32 @!p0 $0x1082;
	s9 =	sld [smem:$0x3FB5]  }
0x2f: {  	lr =	sadd.s32 s0, s3;
	s0 =	sld [smem:$0x3FAC]  }
0x30: {  	s3 =	sld [smem:$0x3FAF]  }
0x31: {  	[smem:$0x3FB8] =	sst s10  }
0x32: {  	s10 =	sld [smem:$0x3FB6];
	_ =	sdelay $0x3  }
0x33: {  	p0 =	seq.s32 s10, $0x1;
	s10 =	sld [smem:$0x3FB8];
	_ =	sdelay $0x3  }
0x34: {  	[smem:$0x3FB8] =	sst s10  }
0x35: {  	s10 =	sld [smem:$0x3FB7];
	_ =	sdelay $0x3  }
0x36: {  	p1 =	seq.s32 s10, $0x1;
	s10 =	sld [smem:$0x3FB8];
	_ =	sdelay $0x3  }
0x37: {  	[smem:$0x3FB8] =	sst s10  }
0x38: {  	s10 =	sld [smem:$0x3FB9]  }
0x39: {  	_ = 	snop;
	(pc) =	sbr.ind lr, $3  }
0x3a: {  	_ = 	snop  }
0x3b: {  	_ = 	snop  }
0x3c: {  	p2 =	seq.s32 s10, $0x1;
	s10 =	sld [smem:$0x3FB8]  }
0x3d: {  	_ =	shalt  }
0x3e: {  	_ =	shalt  }
0x3f: {  	_ =	shalt  }
0x40: {  	_ =	shalt  }
0x41: {  	_ =	shalt  }
0x42: {  	_ =	shalt  }
0x43: {  	_ =	shalt  }
0x44: {  	_ =	shalt  }
0x45: {  	_ =	shalt  }
0x46: {  	_ =	shalt  }
0x47: {  	_ =	shalt  }
0x48: {  	_ =	shalt  }
0x49: {  	_ =	shalt  }
0x4a: {  	_ =	shalt  }
0x4b: {  	_ =	shalt  }
0x4c: {  	_ =	shalt  }
0x4d: {  	_ =	shalt  }
0x4e: {  	_ =	shalt  }
0x4f: {  	_ =	shalt  }
0x50: {  	_ =	shalt  }
0x51: {  	_ =	shalt  }
0x52: {  	_ =	shalt  }
0x53: {  	_ =	shalt  }
0x54: {  	_ =	shalt  }
0x55: {  	_ =	shalt  }
0x56: {  	_ =	shalt  }
0x57: {  	_ =	shalt  }
0x58: {  	_ =	shalt  }
0x59: {  	_ =	shalt  }
0x5a: {  	_ =	shalt  }
0x5b: {  	_ =	shalt  }
0x5c: {  	_ =	shalt  }
0x5d: {  	_ =	shalt  }
0x5e: {  	_ =	shalt  }
0x5f: {  	_ =	shalt  }
0x60: {  	_ =	shalt  }
0x61: {  	_ =	shalt  }
0x62: {  	_ =	shalt  }
0x63: {  	_ =	shalt  }
0x64: {  	_ =	shalt  }
0x65: {  	_ =	shalt  }
0x66: {  	_ =	shalt  }
0x67: {  	_ =	shalt  }
0x68: {  	_ =	shalt  }
0x69: {  	_ =	shalt  }
0x6a: {  	_ =	shalt  }
0x6b: {  	_ =	shalt  }
0x6c: {  	_ =	shalt  }
0x6d: {  	_ =	shalt  }
0x6e: {  	_ =	shalt  }
0x6f: {  	_ =	shalt  }
0x70: {  	_ =	shalt  }
0x71: {  	_ =	shalt  }
0x72: {  	_ =	shalt  }
0x73: {  	_ =	shalt  }
0x74: {  	_ =	shalt  }
0x75: {  	_ =	shalt  }
0x76: {  	_ =	shalt  }
0x77: {  	_ =	shalt  }
0x78: {  	_ =	shalt  }
0x79: {  	_ =	shalt  }
0x7a: {  	_ =	shalt  }
0x7b: {  	_ =	shalt  }
0x7c: {  	_ =	shalt  }
0x7d: {  	_ =	shalt  }
0x7e: {  	_ =	shalt  }
0x7f: {  	_ =	shalt  }
0x80: {  	_ =	shalt  }
0x81: {  	_ =	shalt  }
0x82: {  	_ =	shalt  }
0x83: {  	_ =	shalt  }
0x84: {  	_ =	shalt  }
0x85: {  	_ =	shalt  }
0x86: {  	_ =	shalt  }
0x87: {  	_ =	shalt  }
.Lfunc_end0:
.L_simem_size_0:
called_computation.1_lowered:
.L_overlay_start_0:
0x88: {  	s2 =	sld [smem:$0x3FD9]  }
0x89: {  	s3 =	sld [smem:$0x3FFE];
	_ =	sdelay $0x1  }
0x8a: {  	s1 =	srdreg.scid  }
0x8b: {  	s0 =	sand.u32 $0x1, s1  }
0x8c: {  	s17 =	sshll.u32 s0, $0xA;
	s2 =	sadd.s32 s3, s2  }
0x8d: {  	s2 =	sadd.s32 s2, s17  }
0x8e: {  	[smem:$0x3FC4] =	sst s2  }
0x8f: {  	_ = 	snop  }
0x90: {  	s2 =	sld [smem:$0x3FD0];
	(tm) =	ssettm $0x1  }
0x91: {  	s18 =	sld [smem:$0x3FFB];
	_ =	sdelay $0x3  }
0x92: {  	_ =	strace s18  }
0x93: {  	s3 =	sld [smem:$0x3FFC];
	_ =	sdelay $0x3  }
0x94: {  	_ =	strace s3  }
0x95: {  	s3 =	sld [smem:$0x3FFD];
	_ =	sdelay $0x3  }
0x96: {  	_ =	strace s3  }
0x97: {  	_ =	strace $0x8FFFFFFF  }
0x98: {  	s19 =	sld [smem:$0x3FDB];
	_ =	sdelay $0x1  }
0x99: {  	s4 =	simm.s32 $_scs_section_size  }
0x9a: {  	s5 =	simm.s32 $_size__tile_overlayer_lowered;
	s6 =	simm.s32 $_tile_overlayer_lowered  }
0x9b: {  	s22 =	simm.s32 $0x1BFF;
	s21 =	sshll.u32 s6, $0x1;
	s3 =	sadd.s32 s4, s19  }
0x9c: {  	s7 =	simm.s32 $0x0;
	s20 =	sshll.u32 s5, $0x1;
	s5 =	sadd.s32 s21, s3  }
0x9d: {  	[timem:s7], [sflag:s22] =	dma.local [hbm:s5], s20  }
0x9e: {  	_ =	swait.ge [sflag:s22], s20  }
0x9f: {  	s4 =	ssub.s32 $0x0, s20;
	[sflag:s22] =	ssyncset.done $0x0  }
0xa0: {  	[sflag:s22] =	ssyncadd.s32 s4;
	_ =	sdelay $0x1  }
0xa1: {  	s23 =	simm.s32 $0x1B8B  }
0xa2: {  	_ =	swait.ge [sflag:s23], $0x1  }
0xa3: {  	[sflag:s23] =	ssyncset.done $0x0  }
0xa4: {  	s25 =	simm.s32 $0x1B8E;
	s24 =	sld [smem:$0x3FFE];
	[sflag:s23] =	ssyncadd.s32 $0xFFFFFFFF  }
0xa5: {  	s26 =	simm.s32 $execute0_lowered;
	[smem:$0x3FD2] =	sst s25  }
0xa6: {  	s5 =	sshll.u32 s26, $0x1;
	_ =	strace $0x80000046;
	[dreg:$0x1] =	wrdreg $0xFFFFFFFF  }
0xa7: {  	s28 =	simm.s32 $_size_execute0_lowered;
	s3 =	sadd.s32 s3, s5;
	[dreg:$0x0] =	wrdreg $0x0  }
0xa8: {  	s5 =	sshll.u32 s28, $0x1;
	[dreg:$0x2] =	wrdreg s3  }
0xa9: {  	[dreg:$0x3] =	wrdreg s5  }
0xaa: {  	[dreg:$0x4] =	wrdreg $0xC0  }
0xab: {  	_ =	task [dreg:s7], $0x5FFFF  }
0xac: {  	[dreg:$0x1] =	wrdreg $0xFFFFFFFF  }
0xad: {  	[dreg:$0x0] =	wrdreg $0x60  }
0xae: {  	[dreg:$0x2] =	wrdreg s24  }
0xaf: {  	[dreg:$0x3] =	wrdreg s2  }
0xb0: {  	[dreg:$0x4] =	wrdreg $0x9  }
0xb1: {  	_ =	task.clear_ibuf [dreg:s7], $0x5FFFF;
	_ =	strace $0x90000046  }
0xb2: {  	s29 =	simm.s32 $0x9;
	_ =	strace $0x80000048  }
0xb3: {  	_ =	swait.ge [sflag:s29], $0x1  }
0xb4: {  	[sflag:s29] =	ssyncadd.s32 $0xFFFFFFFF  }
0xb5: {  	_ =	strace $0x90000048  }
0xb6: {  	_ =	sfence  }
0xb7: {  	s30 =	sld [smem:$0x0];
	_ =	sdelay $0x2  }
0xb8: {  	s31 =	sshll.u32 s1, $0xD;
	s1 =	sshrl.u32 s1, $0x2  }
0xb9: {  	s3 =	sand.u32 $0x4000, s31;
	s1 =	sadd.s32 s1, s30  }
0xba: {  	s0 =	sor.u32 s3, s0;
	s1 =	sshll.u32 s1, $0x11  }
0xbb: {  	s0 =	sor.u32 s1, s0  }
0xbc: {  	s0 =	sadd.s32 $0x8F2B, s0  }
0xbd: {  	[sflag:s0] =	ssyncadd.remote.s32 $0x1  }
0xbe: {  	_ =	sfence.sel $0xFFFF  }
0xbf: {  	[dreg:$0x0] =	wrdreg $0xFFFFFFFF;
	(pc) =	sbr.abs _section_cstart, $3  }
0xc0: {  	[dreg:$0x1] =	wrdreg $0xFFFFFFFF  }
0xc1: {  	_ =	task.clear_ibuf [dreg:s7], $0x2FFFF;
	_ =	strace $0x9FFFFFFF  }
0xc2: {  	(tm) =	ssettm $0x7FFFFFFF  }
0xc3: {  	_ =	shalt  }
tec
execute0_lowered:
.L_overlay_start_1:
0x0: {  	(tag) =	ssettag $0x1  }
0x1: {  	s0 =	srdreg.scid  }
0x2: {  	s2 =	stileid.u32;
	s1 =	rddreg [dreg:$0x0];
	s12 =	simm.s32 $0x3  }
0x3: {  	s14 =	simm.s32 $0x50;
	s15 =	simm.s32 $0x3200;
	s16 =	simm.s32 $0xD200  }
0x4: {  	s17 =	simm.s32 $0x4600;
	s19 =	simm.s32 $0xE600;
	s21 =	simm.s32 $0x5A00  }
0x5: {  	s28 =	simm.s32 $0x10E00;
	s29 =	simm.s32 $0x8200;
	s30 =	simm.s32 $0x12200  }
0x6: {  	s31 =	simm.s32 $0x9600;
	s18 =	simm.s32 $0x14A00;
	s20 =	simm.s32 $0xBE00  }
0x7: {  	s13 =	simm.s32 $0x0;
	s0 =	sand.u32 $0x1, s0;
	s3 =	sshll.u32 s2, $0x1  }
0x8: {  	s2 =	rddreg [dreg:$0x1];
	s5 =	sor.u32 s0, s3;
	s3 =	simm.s32 $0x0  }
0x9: {  	s0 =	ssub.s32 $0x2, s0;
	s4 =	smul.u32 $0x1900, s5;
	[smem:$0x7FF] =	sst s3  }
0xa: {  	s7 =	smul.u32 $0x64000, s5;
	s5 =	sadd.s32 $0xF43200, s1;
	s22 =	sshrl.u32 s0, $0x1  }
0xb: {  	_ =	strace $0x80000047;
	s0 =	ssub.s32 s0, s22;
	s6 =	sshrl.u32 s4, $0x3  }
0xc: {  	s22 =	simm.s32 $0x15E00;
	s0 =	smax.u32 s0, $0x1;
	s8 =	sadd.s32 s6, s1  }
0xd: {  	s7 =	sshrl.u32 s7, $0x3;
	[dreg:$0x7] =	wrdreg s0;
	s23 =	sadd.s32 $0x7200, s8  }
0xe: {  	s24 =	sadd.s32 s2, s7;
	s25 =	sadd.s32 $0xE00, s8;
	[dreg:$0x3] =	wrdreg s23  }
0xf: {  	s6 =	sadd.s32 $0xD600, s1;
	s26 =	sadd.s32 $0xB400, s24;
	[dreg:$0x4] =	wrdreg s25  }
0x10: {  	s0 =	simm.s32 $0xAA00;
	s1 =	sadd.s32 $0xBE00, s24;
	[dreg:$0x5] =	wrdreg s26  }
0x11: {  	s24 =	simm.s32 $0x1;
	[dreg:$0x6] =	wrdreg s1;
	s23 =	simm.s32 $0xFA00  }
0x12: {  	s25 =	simm.s32 $0x6E00;
	s1 =	simm.s32 $0x13600;
	s26 =	simm.s32 $0x2  }
.LBB2_1:
0x13: {  	s7 =	rddreg [dreg:$0x3]  }
0x14: {  	[tilespmem:s3], [sflag:$0x3] =	stream.linear.gather [hbm4b:s7+s3], $0x1900, $0x38;
	[tilespmem:$0x17200] =	vst v63  }
0x15: {  	_ =	swait.ge [sflag:s12], $0x1900  }
0x16: {  	[sflag:s12] =	ssyncset.done $0x0  }
0x17: {  	s8 =	simm.s32 $0x1900;
	s10 =	rddreg [dreg:$0x4];
	[sflag:s12] =	ssyncadd.s32 $0xFFFFE700  }
0x18: {  	[tilespmem:s8], [sflag:$0x3] =	stream.linear.gather [hbm4b:s10+s3], $0x1900, $0x38;
	[tilespmem:$0x17200] =	vst v63  }
0x19: {  	_ =	swait.ge [sflag:s12], $0x1900  }
0x1a: {  	[sflag:s12] =	ssyncset.done $0x0  }
0x1b: {  	[sflag:s12] =	ssyncadd.s32 $0xFFFFE700  }
0x1c: {  	[tilespmem:s15], [sflag:$0x1] =	stream.indirect.gather [hbm4b:s5+s14], $0x40, s3, s14, $0xb8;
	[tilespmem:$0x17200] =	vst v63  }
0x1d: {  	_ = 	snop  }
0x1e: {  	[tilespmem:s16], [sflag:$0x1] =	stream.indirect.gather [hbm4b:s6+s14], $0x40, s8, s14, $0xb8;
	[tilespmem:$0x17200] =	vst v63  }
0x1f: {  	_ = 	snop  }
0x20: {  	[tilespmem:s17], [sflag:$0x1] =	stream.indirect.gather [hbm4b:s5+s14], $0x40, s14, s14, $0xb8;
	[tilespmem:$0x17200] =	vst v63  }
0x21: {  	s11 =	simm.s32 $0x1950  }
0x22: {  	[tilespmem:s19], [sflag:$0x1] =	stream.indirect.gather [hbm4b:s6+s14], $0x40, s11, s14, $0xb8;
	[tilespmem:$0x17200] =	vst v63  }
0x23: {  	s8 =	simm.s32 $0xA0  }
0x24: {  	[tilespmem:s21], [sflag:$0x1] =	stream.indirect.gather [hbm4b:s5+s14], $0x40, s8, s14, $0xb8;
	[tilespmem:$0x17200] =	vst v63  }
0x25: {  	s9 =	simm.s32 $0x19A0  }
0x26: {  	[tilespmem:s23], [sflag:$0x1] =	stream.indirect.gather [hbm4b:s6+s14], $0x40, s9, s14, $0xb8;
	[tilespmem:$0x17200] =	vst v63  }
0x27: {  	s10 =	simm.s32 $0xF0  }
0x28: {  	[tilespmem:s25], [sflag:$0x1] =	stream.indirect.gather [hbm4b:s5+s14], $0x40, s10, s14, $0xb8;
	[tilespmem:$0x17200] =	vst v63  }
0x29: {  	s7 =	simm.s32 $0x0;
	s11 =	simm.s32 $0x19F0  }
0x2a: {  	[tilespmem:s28], [sflag:$0x1] =	stream.indirect.gather [hbm4b:s6+s14], $0x40, s11, s14, $0xb8;
	[tilespmem:$0x17200] =	vst v63  }
.LBB2_2:
0x2b: {  	s9 =	smul.u32 $0x280, s7;
	_ =	sdelay $0x1  }
0x2c: {  	s8 =	sadd.s32 $0x140, s9  }
0x2d: {  	[tilespmem:s29], [sflag:$0x2] =	stream.indirect.gather [hbm4b:s5+s14], $0x40, s8, s14, $0xb8;
	[tilespmem:$0x17200] =	vst v63  }
0x2e: {  	s10 =	sadd.s32 $0x1A40, s9  }
0x2f: {  	[tilespmem:s30], [sflag:$0x2] =	stream.indirect.gather [hbm4b:s6+s14], $0x40, s10, s14, $0xb8;
	[tilespmem:$0x17200] =	vst v63  }
0x30: {  	s11 =	sadd.s32 $0x190, s9  }
0x31: {  	[tilespmem:s31], [sflag:$0x2] =	stream.indirect.gather [hbm4b:s5+s14], $0x40, s11, s14, $0xb8;
	[tilespmem:$0x17200] =	vst v63  }
0x32: {  	s11 =	sadd.s32 $0x1A90, s9  }
0x33: {  	[tilespmem:s1], [sflag:$0x2] =	stream.indirect.gather [hbm4b:s6+s14], $0x40, s11, s14, $0xb8;
	[tilespmem:$0x17200] =	vst v63  }
0x34: {  	s11 =	sadd.s32 $0x1E0, s9  }
0x35: {  	[tilespmem:s0], [sflag:$0x2] =	stream.indirect.gather [hbm4b:s5+s14], $0x40, s11, s14, $0xb8;
	[tilespmem:$0x17200] =	vst v63  }
0x36: {  	s11 =	sadd.s32 $0x1AE0, s9  }
0x37: {  	[tilespmem:s18], [sflag:$0x2] =	stream.indirect.gather [hbm4b:s6+s14], $0x40, s11, s14, $0xb8;
	[tilespmem:$0x17200] =	vst v63  }
0x38: {  	s11 =	sadd.s32 $0x230, s9  }
0x39: {  	[tilespmem:s20], [sflag:$0x2] =	stream.indirect.gather [hbm4b:s5+s14], $0x40, s11, s14, $0xb8;
	[tilespmem:$0x17200] =	vst v63  }
0x3a: {  	s11 =	sadd.s32 $0x1B30, s9  }
0x3b: {  	[tilespmem:s22], [sflag:$0x2] =	stream.indirect.gather [hbm4b:s6+s14], $0x40, s11, s14, $0xb8;
	[tilespmem:$0x17200] =	vst v63  }
0x3c: {  	_ =	swait.ge [sflag:s24], $0x1400  }
0x3d: {  	[sflag:s24] =	ssyncset.done $0x0  }
0x3e: {  	[sflag:s24] =	ssyncadd.s32 $0xFFFFEC00  }
0x3f: {  	_ =	swait.ge [sflag:s24], $0x1400  }
0x40: {  	[sflag:s24] =	ssyncset.done $0x0  }
0x41: {  	[sflag:s24] =	ssyncadd.s32 $0xFFFFEC00  }
0x42: {  	_ =	swait.ge [sflag:s24], $0x1400  }
0x43: {  	[sflag:s24] =	ssyncset.done $0x0  }
0x44: {  	[sflag:s24] =	ssyncadd.s32 $0xFFFFEC00  }
0x45: {  	_ =	swait.ge [sflag:s24], $0x1400  }
0x46: {  	[sflag:s24] =	ssyncset.done $0x0  }
0x47: {  	[sflag:s24] =	ssyncadd.s32 $0xFFFFEC00  }
0x48: {  	_ =	swait.ge [sflag:s24], $0x1400  }
0x49: {  	[sflag:s24] =	ssyncset.done $0x0  }
0x4a: {  	[sflag:s24] =	ssyncadd.s32 $0xFFFFEC00  }
0x4b: {  	_ =	swait.ge [sflag:s24], $0x1400  }
0x4c: {  	[sflag:s24] =	ssyncset.done $0x0  }
0x4d: {  	[sflag:s24] =	ssyncadd.s32 $0xFFFFEC00  }
0x4e: {  	_ =	swait.ge [sflag:s24], $0x1400  }
0x4f: {  	[sflag:s24] =	ssyncset.done $0x0  }
0x50: {  	[sflag:s24] =	ssyncadd.s32 $0xFFFFEC00  }
0x51: {  	_ =	swait.ge [sflag:s24], $0x1400  }
0x52: {  	[sflag:s24] =	ssyncset.done $0x0  }
0x53: {  	s10 =	simm.s32 $0x0;
	s11 =	simm.s32 $0x200;
	[sflag:s24] =	ssyncadd.s32 $0xFFFFEC00  }
.LBB2_3:
0x54: {  	p0 =	sne.s32 s11, $0x13E00;
	v0 =	vld [tilespmem:s10+$0xD270]  }
0x55: {  	v1 =	vld [tilespmem:s10+$0xD200]  }
0x56: {  	v2 =	vld [tilespmem:s10+$0xD210]  }
0x57: {  	v3 =	vld [tilespmem:s10+$0xD220]  }
0x58: {  	v4 =	vld [tilespmem:s10+$0xD230]  }
0x59: {  	[tilespmem:s10+$0x3270] =	vst.add.f32.msk $0xffff, v0  }
0x5a: {  	v0 =	vld [tilespmem:s10+$0xD240]  }
0x5b: {  	v5 =	vld [tilespmem:s10+$0xD250]  }
0x5c: {  	v6 =	vld [tilespmem:s10+$0xD260]  }
0x5d: {  	[tilespmem:s10+$0x3200] =	vst.add.f32.msk $0xffff, v1  }
0x5e: {  	[tilespmem:s10+$0x3210] =	vst.add.f32.msk $0xffff, v2  }
.Ltmp0:
0x5f: {  	[tilespmem:s10+$0x3220] =	vst.add.f32.msk $0xffff, v3;
	(pc) =	sbr.rel @p0 .LBB2_3-.Ltmp0, $4  }
0x60: {  	[tilespmem:s10+$0x3230] =	vst.add.f32.msk $0xffff, v4  }
0x61: {  	[tilespmem:s10+$0x3240] =	vst.add.f32.msk $0xffff, v0  }
0x62: {  	[tilespmem:s10+$0x3250] =	vst.add.f32.msk $0xffff, v5  }
0x63: {  	[tilespmem:s10+$0x3260] =	vst.add.f32.msk $0xffff, v6;
	s10 =	sshra.s32 s11, $0x2;
	s11 =	sadd.s32 $0x200, s11  }
0x64: {  	v0 =	vld [tilespmem:s10+$0xD270]  }
0x65: {  	v1 =	vld [tilespmem:s10+$0xD200]  }
0x66: {  	v2 =	vld [tilespmem:s10+$0xD210]  }
0x67: {  	v3 =	vld [tilespmem:s10+$0xD220]  }
0x68: {  	v4 =	vld [tilespmem:s10+$0xD230]  }
0x69: {  	v63 =	vld [tilespmem:s10+$0xD240]  }
0x6a: {  	v5 =	vld [tilespmem:s10+$0xD250]  }
0x6b: {  	v6 =	vld [tilespmem:s10+$0xD260]  }
0x6c: {  	[tilespmem:s10+$0x3270] =	vst.add.f32.msk $0xffff, v0  }
0x6d: {  	[tilespmem:s10+$0x3200] =	vst.add.f32.msk $0xffff, v1  }
0x6e: {  	[tilespmem:s10+$0x3210] =	vst.add.f32.msk $0xffff, v2  }
0x6f: {  	[tilespmem:s10+$0x3220] =	vst.add.f32.msk $0xffff, v3  }
0x70: {  	[tilespmem:s10+$0x3230] =	vst.add.f32.msk $0xffff, v4  }
0x71: {  	s11 =	sadd.s32 s4, s9;
	[tilespmem:s10+$0x3240] =	vst.add.f32.msk $0xffff, v63  }
0x72: {  	s11 =	sshll.u32 s11, $0x3;
	[tilespmem:s10+$0x3250] =	vst.add.f32.msk $0xffff, v5  }
0x73: {  	[tilespmem:s10+$0x3260] =	vst.add.f32.msk $0xffff, v6;
	s10 =	sadd.s32 s2, s11;
	s11 =	simm.s32 $0x0  }
0x74: {  	[hbm4b:s10+s11] =	stream.linear.scatter [tilespmem:s15], [sflag:$0x3], $0x5000, $0x38;
	[tilespmem:$0x17200] =	vst v63  }
0x75: {  	_ =	swait.ge [sflag:s12], $0x5000  }
0x76: {  	[sflag:s12] =	ssyncset.done $0x0  }
0x77: {  	s11 =	sadd.s32 $0x280, s9;
	[sflag:s12] =	ssyncadd.s32 $0xFFFFB000  }
0x78: {  	[tilespmem:s15], [sflag:$0x1] =	stream.indirect.gather [hbm4b:s5+s14], $0x40, s11, s14, $0xb8;
	[tilespmem:$0x17200] =	vst v63  }
0x79: {  	s11 =	sadd.s32 $0x1B80, s9  }
0x7a: {  	[tilespmem:s16], [sflag:$0x1] =	stream.indirect.gather [hbm4b:s6+s14], $0x40, s11, s14, $0xb8;
	[tilespmem:$0x17200] =	vst v63  }
0x7b: {  	s11 =	sadd.s32 $0x2D0, s9  }
0x7c: {  	[tilespmem:s17], [sflag:$0x1] =	stream.indirect.gather [hbm4b:s5+s14], $0x40, s11, s14, $0xb8;
	[tilespmem:$0x17200] =	vst v63  }
0x7d: {  	s11 =	sadd.s32 $0x1BD0, s9  }
0x7e: {  	[tilespmem:s19], [sflag:$0x1] =	stream.indirect.gather [hbm4b:s6+s14], $0x40, s11, s14, $0xb8;
	[tilespmem:$0x17200] =	vst v63  }
0x7f: {  	s11 =	sadd.s32 $0x320, s9  }
0x80: {  	[tilespmem:s21], [sflag:$0x1] =	stream.indirect.gather [hbm4b:s5+s14], $0x40, s11, s14, $0xb8;
	[tilespmem:$0x17200] =	vst v63  }
0x81: {  	s11 =	sadd.s32 $0x1C20, s9  }
0x82: {  	[tilespmem:s23], [sflag:$0x1] =	stream.indirect.gather [hbm4b:s6+s14], $0x40, s11, s14, $0xb8;
	[tilespmem:$0x17200] =	vst v63  }
0x83: {  	s11 =	sadd.s32 $0x370, s9  }
0x84: {  	[tilespmem:s25], [sflag:$0x1] =	stream.indirect.gather [hbm4b:s5+s14], $0x40, s11, s14, $0xb8;
	[tilespmem:$0x17200] =	vst v63  }
0x85: {  	s11 =	sadd.s32 $0x1C70, s9  }
0x86: {  	[tilespmem:s28], [sflag:$0x1] =	stream.indirect.gather [hbm4b:s6+s14], $0x40, s11, s14, $0xb8;
	[tilespmem:$0x17200] =	vst v63  }
0x87: {  	_ =	swait.ge [sflag:s26], $0x1400  }
0x88: {  	[sflag:s26] =	ssyncset.done $0x0  }
0x89: {  	[sflag:s26] =	ssyncadd.s32 $0xFFFFEC00  }
0x8a: {  	_ =	swait.ge [sflag:s26], $0x1400  }
0x8b: {  	[sflag:s26] =	ssyncset.done $0x0  }
0x8c: {  	[sflag:s26] =	ssyncadd.s32 $0xFFFFEC00  }
0x8d: {  	_ =	swait.ge [sflag:s26], $0x1400  }
0x8e: {  	[sflag:s26] =	ssyncset.done $0x0  }
0x8f: {  	[sflag:s26] =	ssyncadd.s32 $0xFFFFEC00  }
0x90: {  	_ =	swait.ge [sflag:s26], $0x1400  }
0x91: {  	[sflag:s26] =	ssyncset.done $0x0  }
0x92: {  	[sflag:s26] =	ssyncadd.s32 $0xFFFFEC00  }
0x93: {  	_ =	swait.ge [sflag:s26], $0x1400  }
0x94: {  	[sflag:s26] =	ssyncset.done $0x0  }
0x95: {  	[sflag:s26] =	ssyncadd.s32 $0xFFFFEC00  }
0x96: {  	_ =	swait.ge [sflag:s26], $0x1400  }
0x97: {  	[sflag:s26] =	ssyncset.done $0x0  }
0x98: {  	[sflag:s26] =	ssyncadd.s32 $0xFFFFEC00  }
0x99: {  	_ =	swait.ge [sflag:s26], $0x1400  }
0x9a: {  	[sflag:s26] =	ssyncset.done $0x0  }
0x9b: {  	[sflag:s26] =	ssyncadd.s32 $0xFFFFEC00  }
0x9c: {  	_ =	swait.ge [sflag:s26], $0x1400  }
0x9d: {  	[sflag:s26] =	ssyncset.done $0x0  }
0x9e: {  	s10 =	simm.s32 $0x200;
	s9 =	simm.s32 $0x0;
	[sflag:s26] =	ssyncadd.s32 $0xFFFFEC00  }
.LBB2_5:
0x9f: {  	p0 =	sne.s32 s10, $0x13E00;
	v0 =	vld [tilespmem:s9+$0x12270]  }
0xa0: {  	v1 =	vld [tilespmem:s9+$0x12200]  }
0xa1: {  	v2 =	vld [tilespmem:s9+$0x12210]  }
0xa2: {  	v3 =	vld [tilespmem:s9+$0x12220]  }
0xa3: {  	v4 =	vld [tilespmem:s9+$0x12230]  }
0xa4: {  	[tilespmem:s9+$0x8270] =	vst.add.f32.msk $0xffff, v0  }
0xa5: {  	v0 =	vld [tilespmem:s9+$0x12240]  }
0xa6: {  	v5 =	vld [tilespmem:s9+$0x12250]  }
0xa7: {  	v6 =	vld [tilespmem:s9+$0x12260]  }
0xa8: {  	[tilespmem:s9+$0x8200] =	vst.add.f32.msk $0xffff, v1  }
0xa9: {  	[tilespmem:s9+$0x8210] =	vst.add.f32.msk $0xffff, v2  }
.Ltmp1:
0xaa: {  	[tilespmem:s9+$0x8220] =	vst.add.f32.msk $0xffff, v3;
	(pc) =	sbr.rel @p0 .LBB2_5-.Ltmp1, $4  }
0xab: {  	[tilespmem:s9+$0x8230] =	vst.add.f32.msk $0xffff, v4  }
0xac: {  	[tilespmem:s9+$0x8240] =	vst.add.f32.msk $0xffff, v0  }
0xad: {  	[tilespmem:s9+$0x8250] =	vst.add.f32.msk $0xffff, v5  }
0xae: {  	[tilespmem:s9+$0x8260] =	vst.add.f32.msk $0xffff, v6;
	s9 =	sshra.s32 s10, $0x2;
	s10 =	sadd.s32 $0x200, s10  }
0xaf: {  	v0 =	vld [tilespmem:s9+$0x12270]  }
0xb0: {  	v1 =	vld [tilespmem:s9+$0x12200]  }
0xb1: {  	v2 =	vld [tilespmem:s9+$0x12210]  }
0xb2: {  	v3 =	vld [tilespmem:s9+$0x12220]  }
0xb3: {  	v4 =	vld [tilespmem:s9+$0x12230]  }
0xb4: {  	v63 =	vld [tilespmem:s9+$0x12240]  }
0xb5: {  	v5 =	vld [tilespmem:s9+$0x12250]  }
0xb6: {  	v6 =	vld [tilespmem:s9+$0x12260]  }
0xb7: {  	[tilespmem:s9+$0x8270] =	vst.add.f32.msk $0xffff, v0  }
0xb8: {  	[tilespmem:s9+$0x8200] =	vst.add.f32.msk $0xffff, v1  }
0xb9: {  	[tilespmem:s9+$0x8210] =	vst.add.f32.msk $0xffff, v2  }
0xba: {  	[tilespmem:s9+$0x8220] =	vst.add.f32.msk $0xffff, v3  }
0xbb: {  	s8 =	sadd.s32 s4, s8;
	[tilespmem:s9+$0x8230] =	vst.add.f32.msk $0xffff, v4  }
0xbc: {  	s7 =	sadd.s32 $0x1, s7;
	s8 =	sshll.u32 s8, $0x3;
	[tilespmem:s9+$0x8240] =	vst.add.f32.msk $0xffff, v63  }
0xbd: {  	p0 =	sne.s32 s7, $0x9;
	s8 =	sand.u32 $0x1FFFFE00, s8;
	[tilespmem:s9+$0x8250] =	vst.add.f32.msk $0xffff, v5  }
.Ltmp2:
0xbe: {  	s8 =	sadd.s32 s2, s8;
	[tilespmem:s9+$0x8260] =	vst.add.f32.msk $0xffff, v6;
	(pc) =	sbr.rel @p0 .LBB2_2-.Ltmp2, $4  }
0xbf: {  	[hbm4b:s8+s3] =	stream.linear.scatter [tilespmem:s29], [sflag:$0x3], $0x5000, $0x38;
	[tilespmem:$0x17200] =	vst v63  }
0xc0: {  	_ =	swait.ge [sflag:s12], $0x5000  }
0xc1: {  	[sflag:s12] =	ssyncset.done $0x0  }
0xc2: {  	[sflag:s12] =	ssyncadd.s32 $0xFFFFB000  }
0xc3: {  	s7 =	simm.s32 $0x17C0  }
0xc4: {  	[tilespmem:s29], [sflag:$0x2] =	stream.indirect.gather [hbm4b:s5+s14], $0x40, s7, s14, $0xb8;
	[tilespmem:$0x17200] =	vst v63  }
0xc5: {  	s9 =	simm.s32 $0x30C0  }
0xc6: {  	[tilespmem:s30], [sflag:$0x2] =	stream.indirect.gather [hbm4b:s6+s14], $0x40, s9, s14, $0xb8;
	[tilespmem:$0x17200] =	vst v63  }
0xc7: {  	s10 =	simm.s32 $0x1810  }
0xc8: {  	[tilespmem:s31], [sflag:$0x2] =	stream.indirect.gather [hbm4b:s5+s14], $0x40, s10, s14, $0xb8;
	[tilespmem:$0x17200] =	vst v63  }
0xc9: {  	s11 =	simm.s32 $0x3110  }
0xca: {  	[tilespmem:s1], [sflag:$0x2] =	stream.indirect.gather [hbm4b:s6+s14], $0x40, s11, s14, $0xb8;
	[tilespmem:$0x17200] =	vst v63  }
0xcb: {  	s8 =	simm.s32 $0x1860  }
0xcc: {  	[tilespmem:s0], [sflag:$0x2] =	stream.indirect.gather [hbm4b:s5+s14], $0x40, s8, s14, $0xb8;
	[tilespmem:$0x17200] =	vst v63  }
0xcd: {  	s9 =	simm.s32 $0x3160  }
0xce: {  	[tilespmem:s18], [sflag:$0x2] =	stream.indirect.gather [hbm4b:s6+s14], $0x40, s9, s14, $0xb8;
	[tilespmem:$0x17200] =	vst v63  }
0xcf: {  	s10 =	simm.s32 $0x18B0  }
0xd0: {  	[tilespmem:s20], [sflag:$0x2] =	stream.indirect.gather [hbm4b:s5+s14], $0x40, s10, s14, $0xb8;
	[tilespmem:$0x17200] =	vst v63  }
0xd1: {  	s11 =	simm.s32 $0x31B0  }
0xd2: {  	[tilespmem:s22], [sflag:$0x2] =	stream.indirect.gather [hbm4b:s6+s14], $0x40, s11, s14, $0xb8;
	[tilespmem:$0x17200] =	vst v63  }
0xd3: {  	_ =	swait.ge [sflag:s24], $0x1400  }
0xd4: {  	[sflag:s24] =	ssyncset.done $0x0  }
0xd5: {  	[sflag:s24] =	ssyncadd.s32 $0xFFFFEC00  }
0xd6: {  	_ =	swait.ge [sflag:s24], $0x1400  }
0xd7: {  	[sflag:s24] =	ssyncset.done $0x0  }
0xd8: {  	[sflag:s24] =	ssyncadd.s32 $0xFFFFEC00  }
0xd9: {  	_ =	swait.ge [sflag:s24], $0x1400  }
0xda: {  	[sflag:s24] =	ssyncset.done $0x0  }
0xdb: {  	[sflag:s24] =	ssyncadd.s32 $0xFFFFEC00  }
0xdc: {  	_ =	swait.ge [sflag:s24], $0x1400  }
0xdd: {  	[sflag:s24] =	ssyncset.done $0x0  }
0xde: {  	[sflag:s24] =	ssyncadd.s32 $0xFFFFEC00  }
0xdf: {  	_ =	swait.ge [sflag:s24], $0x1400  }
0xe0: {  	[sflag:s24] =	ssyncset.done $0x0  }
0xe1: {  	[sflag:s24] =	ssyncadd.s32 $0xFFFFEC00  }
0xe2: {  	_ =	swait.ge [sflag:s24], $0x1400  }
0xe3: {  	[sflag:s24] =	ssyncset.done $0x0  }
0xe4: {  	[sflag:s24] =	ssyncadd.s32 $0xFFFFEC00  }
0xe5: {  	_ =	swait.ge [sflag:s24], $0x1400  }
0xe6: {  	[sflag:s24] =	ssyncset.done $0x0  }
0xe7: {  	[sflag:s24] =	ssyncadd.s32 $0xFFFFEC00  }
0xe8: {  	_ =	swait.ge [sflag:s24], $0x1400  }
0xe9: {  	[sflag:s24] =	ssyncset.done $0x0  }
0xea: {  	s7 =	simm.s32 $0x0;
	s8 =	simm.s32 $0x200;
	[sflag:s24] =	ssyncadd.s32 $0xFFFFEC00  }
.LBB2_8:
0xeb: {  	p0 =	sne.s32 s8, $0x13E00;
	v0 =	vld [tilespmem:s7+$0xD270]  }
0xec: {  	v1 =	vld [tilespmem:s7+$0xD200]  }
0xed: {  	v2 =	vld [tilespmem:s7+$0xD210]  }
0xee: {  	v3 =	vld [tilespmem:s7+$0xD220]  }
0xef: {  	v4 =	vld [tilespmem:s7+$0xD230]  }
0xf0: {  	[tilespmem:s7+$0x3270] =	vst.add.f32.msk $0xffff, v0  }
0xf1: {  	v0 =	vld [tilespmem:s7+$0xD240]  }
0xf2: {  	v5 =	vld [tilespmem:s7+$0xD250]  }
0xf3: {  	v6 =	vld [tilespmem:s7+$0xD260]  }
0xf4: {  	[tilespmem:s7+$0x3200] =	vst.add.f32.msk $0xffff, v1  }
0xf5: {  	[tilespmem:s7+$0x3210] =	vst.add.f32.msk $0xffff, v2  }
.Ltmp3:
0xf6: {  	[tilespmem:s7+$0x3220] =	vst.add.f32.msk $0xffff, v3;
	(pc) =	sbr.rel @p0 .LBB2_8-.Ltmp3, $4  }
0xf7: {  	[tilespmem:s7+$0x3230] =	vst.add.f32.msk $0xffff, v4  }
0xf8: {  	[tilespmem:s7+$0x3240] =	vst.add.f32.msk $0xffff, v0  }
0xf9: {  	[tilespmem:s7+$0x3250] =	vst.add.f32.msk $0xffff, v5  }
0xfa: {  	[tilespmem:s7+$0x3260] =	vst.add.f32.msk $0xffff, v6;
	s7 =	sshra.s32 s8, $0x2;
	s8 =	sadd.s32 $0x200, s8  }
0xfb: {  	v0 =	vld [tilespmem:s7+$0xD270]  }
0xfc: {  	v1 =	vld [tilespmem:s7+$0xD200]  }
0xfd: {  	v2 =	vld [tilespmem:s7+$0xD210]  }
0xfe: {  	v3 =	vld [tilespmem:s7+$0xD220]  }
0xff: {  	v4 =	vld [tilespmem:s7+$0xD230]  }
0x100: {  	v63 =	vld [tilespmem:s7+$0xD240]  }
0x101: {  	v5 =	vld [tilespmem:s7+$0xD250]  }
0x102: {  	v6 =	vld [tilespmem:s7+$0xD260]  }
0x103: {  	[tilespmem:s7+$0x3270] =	vst.add.f32.msk $0xffff, v0  }
0x104: {  	[tilespmem:s7+$0x3200] =	vst.add.f32.msk $0xffff, v1  }
0x105: {  	[tilespmem:s7+$0x3210] =	vst.add.f32.msk $0xffff, v2  }
0x106: {  	[tilespmem:s7+$0x3220] =	vst.add.f32.msk $0xffff, v3  }
0x107: {  	[tilespmem:s7+$0x3230] =	vst.add.f32.msk $0xffff, v4  }
0x108: {  	[tilespmem:s7+$0x3240] =	vst.add.f32.msk $0xffff, v63  }
0x109: {  	[tilespmem:s7+$0x3250] =	vst.add.f32.msk $0xffff, v5  }
0x10a: {  	s11 =	simm.s32 $0x0;
	s8 =	rddreg [dreg:$0x5];
	[tilespmem:s7+$0x3260] =	vst.add.f32.msk $0xffff, v6  }
0x10b: {  	[hbm4b:s8+s11] =	stream.linear.scatter [tilespmem:s15], [sflag:$0x3], $0x5000, $0x38;
	[tilespmem:$0x17200] =	vst v63  }
0x10c: {  	_ =	swait.ge [sflag:s12], $0x5000  }
0x10d: {  	[sflag:s12] =	ssyncset.done $0x0  }
0x10e: {  	[sflag:s12] =	ssyncadd.s32 $0xFFFFB000  }
0x10f: {  	_ =	swait.ge [sflag:s26], $0x1400  }
0x110: {  	[sflag:s26] =	ssyncset.done $0x0  }
0x111: {  	[sflag:s26] =	ssyncadd.s32 $0xFFFFEC00  }
0x112: {  	_ =	swait.ge [sflag:s26], $0x1400  }
0x113: {  	[sflag:s26] =	ssyncset.done $0x0  }
0x114: {  	[sflag:s26] =	ssyncadd.s32 $0xFFFFEC00  }
0x115: {  	_ =	swait.ge [sflag:s26], $0x1400  }
0x116: {  	[sflag:s26] =	ssyncset.done $0x0  }
0x117: {  	[sflag:s26] =	ssyncadd.s32 $0xFFFFEC00  }
0x118: {  	_ =	swait.ge [sflag:s26], $0x1400  }
0x119: {  	[sflag:s26] =	ssyncset.done $0x0  }
0x11a: {  	[sflag:s26] =	ssyncadd.s32 $0xFFFFEC00  }
0x11b: {  	_ =	swait.ge [sflag:s26], $0x1400  }
0x11c: {  	[sflag:s26] =	ssyncset.done $0x0  }
0x11d: {  	[sflag:s26] =	ssyncadd.s32 $0xFFFFEC00  }
0x11e: {  	_ =	swait.ge [sflag:s26], $0x1400  }
0x11f: {  	[sflag:s26] =	ssyncset.done $0x0  }
0x120: {  	[sflag:s26] =	ssyncadd.s32 $0xFFFFEC00  }
0x121: {  	_ =	swait.ge [sflag:s26], $0x1400  }
0x122: {  	[sflag:s26] =	ssyncset.done $0x0  }
0x123: {  	[sflag:s26] =	ssyncadd.s32 $0xFFFFEC00  }
0x124: {  	_ =	swait.ge [sflag:s26], $0x1400  }
0x125: {  	[sflag:s26] =	ssyncset.done $0x0  }
0x126: {  	s7 =	simm.s32 $0x0;
	s8 =	simm.s32 $0x200;
	[sflag:s26] =	ssyncadd.s32 $0xFFFFEC00  }
.LBB2_10:
0x127: {  	p0 =	sne.s32 s8, $0x13E00;
	v0 =	vld [tilespmem:s7+$0x12270]  }
0x128: {  	v1 =	vld [tilespmem:s7+$0x12200]  }
0x129: {  	v2 =	vld [tilespmem:s7+$0x12210]  }
0x12a: {  	v3 =	vld [tilespmem:s7+$0x12220]  }
0x12b: {  	v4 =	vld [tilespmem:s7+$0x12230]  }
0x12c: {  	[tilespmem:s7+$0x8270] =	vst.add.f32.msk $0xffff, v0  }
0x12d: {  	v0 =	vld [tilespmem:s7+$0x12240]  }
0x12e: {  	v5 =	vld [tilespmem:s7+$0x12250]  }
0x12f: {  	v6 =	vld [tilespmem:s7+$0x12260]  }
0x130: {  	[tilespmem:s7+$0x8200] =	vst.add.f32.msk $0xffff, v1  }
0x131: {  	[tilespmem:s7+$0x8210] =	vst.add.f32.msk $0xffff, v2  }
.Ltmp4:
0x132: {  	[tilespmem:s7+$0x8220] =	vst.add.f32.msk $0xffff, v3;
	(pc) =	sbr.rel @p0 .LBB2_10-.Ltmp4, $4  }
0x133: {  	[tilespmem:s7+$0x8230] =	vst.add.f32.msk $0xffff, v4  }
0x134: {  	[tilespmem:s7+$0x8240] =	vst.add.f32.msk $0xffff, v0  }
0x135: {  	[tilespmem:s7+$0x8250] =	vst.add.f32.msk $0xffff, v5  }
0x136: {  	[tilespmem:s7+$0x8260] =	vst.add.f32.msk $0xffff, v6;
	s7 =	sshra.s32 s8, $0x2;
	s8 =	sadd.s32 $0x200, s8  }
0x137: {  	v0 =	vld [tilespmem:s7+$0x12270]  }
0x138: {  	v1 =	vld [tilespmem:s7+$0x12200]  }
0x139: {  	v2 =	vld [tilespmem:s7+$0x12210]  }
0x13a: {  	v3 =	vld [tilespmem:s7+$0x12220]  }
0x13b: {  	v4 =	vld [tilespmem:s7+$0x12230]  }
0x13c: {  	v63 =	vld [tilespmem:s7+$0x12240]  }
0x13d: {  	v5 =	vld [tilespmem:s7+$0x12250]  }
0x13e: {  	v6 =	vld [tilespmem:s7+$0x12260]  }
0x13f: {  	[tilespmem:s7+$0x8270] =	vst.add.f32.msk $0xffff, v0  }
0x140: {  	[tilespmem:s7+$0x8200] =	vst.add.f32.msk $0xffff, v1  }
0x141: {  	[tilespmem:s7+$0x8210] =	vst.add.f32.msk $0xffff, v2  }
0x142: {  	[tilespmem:s7+$0x8220] =	vst.add.f32.msk $0xffff, v3  }
0x143: {  	[tilespmem:s7+$0x8230] =	vst.add.f32.msk $0xffff, v4  }
0x144: {  	[tilespmem:s7+$0x8240] =	vst.add.f32.msk $0xffff, v63  }
0x145: {  	[tilespmem:s7+$0x8250] =	vst.add.f32.msk $0xffff, v5  }
0x146: {  	s10 =	rddreg [dreg:$0x6];
	[tilespmem:s7+$0x8260] =	vst.add.f32.msk $0xffff, v6  }
0x147: {  	[hbm4b:s10+s3] =	stream.linear.scatter [tilespmem:s29], [sflag:$0x3], $0x5000, $0x38;
	[tilespmem:$0x17200] =	vst v63  }
0x148: {  	_ =	swait.ge [sflag:s12], $0x5000  }
0x149: {  	s13 =	sadd.s32 $0x1, s13;
	s11 =	rddreg [dreg:$0x7]  }
0x14a: {  	p0 =	sne.s32 s13, s11  }
.Ltmp5:
0x14b: {  	_ = 	snop;
	(pc) =	sbr.rel @p0 .LBB2_1-.Ltmp5, $3  }
0x14c: {  	_ =	sdelay $0x1  }
0x14d: {  	[sflag:s12] =	ssyncset.done $0x0  }
0x14e: {  	[sflag:s12] =	ssyncadd.s32 $0xFFFFB000  }
0x14f: {  	_ =	sfence.sel $0x180000  }
0x150: {  	[bflag:$0x0] =	sbarrier.arrive $0xFFFF  }
0x151: {  	_ =	strace $0x90000047  }
0x152: {  	s0 =	stileid.u32;
	[bflag:$0x2] =	sbarrier.arrive $0xFFFF  }
0x153: {  	p0 =	sne.s32 s0, $0x0;
	s0 =	rddreg [dreg:$0x2]  }
0x154: {  	s0 =	sadd.s32 @!p0 $0x100000, s0  }
0x155: {  	[sflag:s0] =	ssyncadd.tile.s32 @!p0 $0x1;
	_ =	shalt  }
.Lfunc_end2:
_tile_overlayer_lowered:
.L_overlay_start_2:
0x156: {  	(tag) =	ssettag $0x2  }
0x157: {  	s0 =	rddreg [dreg:$0x0];
	s2 =	stileid.u32  }
0x158: {  	s1 =	rddreg [dreg:$0x1];
	p0 =	sne.s32 s2, $0x0  }
0x159: {  	s3 =	rddreg [dreg:$0x2];
	[bflag:$0x3] =	sbarrier.arrive $0xFFFF;
	s2 =	simm.s32 @!p0 $0x1C03  }
0x15a: {  	[timem:s3], [sflag:s2] =	dma.local @!p0 [hbm:s0], s1  }
0x15b: {  	s0 =	simm.s32 @!p0 $0x3  }
0x15c: {  	_ =	swait.ge @!p0 [sflag:s0], s1  }
0x15d: {  	s1 =	ssub.s32 @!p0 $0x0, s1;
	[sflag:s0] =	ssyncset.done @!p0 $0x0  }
0x15e: {  	[sflag:s0] =	ssyncadd.s32 @!p0 s1  }
0x15f: {  	[bflag:$0x3] =	sbarrier.arrive $0xFFFF  }
0x160: {  	_ =	shalt  }

// kernel: sparse-core-data-format-call.cloned.1.call-start
scs
called_computation_lowered:
.L_overlay_start_0:
0x0: {  	s2 =	sld [smem:$0x3FD9]  }
0x1: {  	s3 =	sld [smem:$0x3FFE];
	_ =	sdelay $0x1  }
0x2: {  	s1 =	srdreg.scid  }
0x3: {  	s0 =	sand.u32 $0x1, s1  }
0x4: {  	s18 =	sshll.u32 s0, $0xA;
	s2 =	sadd.s32 s3, s2  }
0x5: {  	s2 =	sadd.s32 s2, s18  }
0x6: {  	[smem:$0x3FC4] =	sst s2  }
0x7: {  	_ = 	snop  }
0x8: {  	s2 =	sld [smem:$0x3FD0];
	(tm) =	ssettm $0x1  }
0x9: {  	s19 =	sld [smem:$0x3FFB];
	_ =	sdelay $0x3  }
0xa: {  	_ =	strace s19  }
0xb: {  	s3 =	sld [smem:$0x3FFC];
	_ =	sdelay $0x3  }
0xc: {  	_ =	strace s3  }
0xd: {  	s3 =	sld [smem:$0x3FFD];
	_ =	sdelay $0x3  }
0xe: {  	_ =	strace s3  }
0xf: {  	_ =	strace $0x8FFFFFFF  }
0x10: {  	s20 =	sld [smem:$0x3FDB];
	_ =	sdelay $0x1  }
0x11: {  	s4 =	simm.s32 $_scs_section_size  }
0x12: {  	s5 =	simm.s32 $_size__tile_overlayer_lowered;
	s6 =	simm.s32 $_tile_overlayer_lowered  }
0x13: {  	s23 =	simm.s32 $0x1BFF;
	s22 =	sshll.u32 s6, $0x1;
	s3 =	sadd.s32 s4, s20  }
0x14: {  	s7 =	simm.s32 $0x0;
	s21 =	sshll.u32 s5, $0x1;
	s5 =	sadd.s32 s22, s3  }
0x15: {  	[timem:s7], [sflag:s23] =	dma.local [hbm:s5], s21  }
0x16: {  	_ =	swait.ge [sflag:s23], s21  }
0x17: {  	s4 =	ssub.s32 $0x0, s21;
	[sflag:s23] =	ssyncset.done $0x0  }
0x18: {  	[sflag:s23] =	ssyncadd.s32 s4;
	_ =	sdelay $0x1  }
0x19: {  	s24 =	simm.s32 $0x1B8B  }
0x1a: {  	_ =	swait.ge [sflag:s24], $0x1  }
0x1b: {  	[sflag:s24] =	ssyncset.done $0x0  }
0x1c: {  	s26 =	simm.s32 $0x1B8E;
	s25 =	sld [smem:$0x3FFE];
	[sflag:s24] =	ssyncadd.s32 $0xFFFFFFFF  }
0x1d: {  	s27 =	simm.s32 $execute0_lowered;
	[smem:$0x3FD2] =	sst s26  }
0x1e: {  	s5 =	sshll.u32 s27, $0x1;
	_ =	strace $0x80000049;
	[dreg:$0x1] =	wrdreg $0xFFFFFFFF  }
0x1f: {  	s28 =	simm.s32 $_size_execute0_lowered;
	s3 =	sadd.s32 s3, s5;
	[dreg:$0x0] =	wrdreg $0x0  }
0x20: {  	s5 =	sshll.u32 s28, $0x1;
	[dreg:$0x2] =	wrdreg s3  }
0x21: {  	[dreg:$0x3] =	wrdreg s5  }
0x22: {  	[dreg:$0x4] =	wrdreg $0xC0  }
0x23: {  	_ =	task [dreg:s7], $0x5FFFF  }
0x24: {  	[dreg:$0x1] =	wrdreg $0xFFFFFFFF  }
0x25: {  	[dreg:$0x0] =	wrdreg $0x60  }
0x26: {  	[dreg:$0x2] =	wrdreg s25  }
0x27: {  	[dreg:$0x3] =	wrdreg s2  }
0x28: {  	[dreg:$0x4] =	wrdreg $0x9  }
0x29: {  	_ =	task.clear_ibuf [dreg:s7], $0x5FFFF;
	_ =	strace $0x90000049  }
0x2a: {  	s29 =	simm.s32 $0x9;
	_ =	strace $0x8000004B  }
0x2b: {  	_ =	swait.ge [sflag:s29], $0x1  }
0x2c: {  	[sflag:s29] =	ssyncadd.s32 $0xFFFFFFFF  }
0x2d: {  	_ =	strace $0x9000004B  }
0x2e: {  	_ =	sfence  }
0x2f: {  	s30 =	sld [smem:$0x0];
	_ =	sdelay $0x2  }
0x30: {  	s31 =	sshll.u32 s1, $0xD;
	s1 =	sshrl.u32 s1, $0x2  }
0x31: {  	s3 =	sand.u32 $0x4000, s31;
	s1 =	sadd.s32 s1, s30  }
0x32: {  	s0 =	sor.u32 s3, s0;
	s1 =	sshll.u32 s1, $0x11  }
0x33: {  	s0 =	sor.u32 s1, s0  }
0x34: {  	s0 =	sadd.s32 $0x8F2B, s0  }
0x35: {  	[sflag:s0] =	ssyncadd.remote.s32 $0x1  }
0x36: {  	_ =	sfence.sel $0xFFFF  }
0x37: {  	[dreg:$0x0] =	wrdreg $0xFFFFFFFF;
	(pc) =	sbr.abs _section_cstart, $3  }
0x38: {  	[dreg:$0x1] =	wrdreg $0xFFFFFFFF  }
0x39: {  	_ =	task.clear_ibuf [dreg:s7], $0x2FFFF;
	_ =	strace $0x9FFFFFFF  }
0x3a: {  	(tm) =	ssettm $0x7FFFFFFF  }
0x3b: {  	_ =	shalt  }
tec
execute0_lowered:
.L_overlay_start_1:
0x0: {  	(tag) =	ssettag $0x1  }
0x1: {  	s0 =	stileid.u32;
	s6 =	rddreg [dreg:$0x0]  }
0x2: {  	s2 =	rddreg [dreg:$0x1];
	s5 =	srdreg.scid  }
0x3: {  	s31 =	simm.s32 $0x2;
	s13 =	simm.s32 $0x0;
	s1 =	sshll.u32 s0, $0x7  }
0x4: {  	s14 =	simm.s32 $0x0;
	s12 =	simm.s32 $0x0;
	s3 =	sand.u32 $0x380, s1  }
0x5: {  	s5 =	sshll.u32 s5, $0x4;
	s6 =	sadd.s32 $0xE00, s6;
	s4 =	ssub.s32 $0x400, s3  }
0x6: {  	s1 =	rddreg [dreg:$0x2];
	_ =	strace $0x8000004A;
	s7 =	sand.u32 $0x380, s4  }
0x7: {  	s5 =	sand.u32 $0x10, s5;
	p0 =	sne.s32 s7, $0x0;
	s7 =	simm.s32 $0x1  }
.Ltmp0:
0x8: {  	s8 =	sshrl.u32 s4, $0xA;
	s7 =	simm.s32 @!p0 $0x0;
	(pc) =	sbr.rel .LBB1_1-.Ltmp0, $4  }
0x9: {  	s9 =	sor.u32 s0, s5;
	s4 =	simm.s32 $0x1;
	s30 =	sadd.s32 s7, s8  }
0xa: {  	s11 =	smov.u32 s3;
	[sflag:s4] =	ssyncpa.u1 $0x0;
	s5 =	smul.u32 $0x32, s30  }
0xb: {  	[sflag:s31] =	ssyncpa.u1 $0x0;
	p0 =	por $0x0, $0x0;
	s7 =	sshrl.u32 s9, $0x3  }
0xc: {  	s9 =	simm.s32 $0x2000;
	s10 =	smov.u32 s7;
	s8 =	sor.u32 $0x1, s5  }
.LBB1_4:
0xd: {  	s17 =	sand.u32 $0x1F80, s14;
	s13 =	sshll.u32 s13, $0xD  }
0xe: {  	[tilespmem:s16+$0x810 ss:$0x81] =	vst.msk $0xffff, v2;
	s18 =	sshrl.u32 s14, $0x3;
	s31 =	sand.u32 $0x7, s14;
	s17 =	sadd.s32 s2, s17  }
0xf: {  	[tilespmem:s16+$0x1020 ss:$0x81] =	vst.msk $0xffff, v0;
	s18 =	sand.u32 $0xF, s18;
	s14 =	sshll.u32 s31, $0x12;
	s13 =	sadd.s32 s13, s17  }
0x10: {  	[tilespmem:s16+$0x0 ss:$0x81] =	vst.msk $0xffff, v1;
	s14 =	sor.u32 $0x400, s14;
	s13 =	sadd.s32 s18, s13  }
0x11: {  	[hbm4b:s13+s14] =	stream.strided.scatter [tilespmem:s15], [sflag:$0x2], $0x2000, s9, s14, $0x20;
	[tilespmem:$0x8080] =	vst v63  }
.LBB1_5:
0x12: {  	s15 =	sadd.s32 $0x4, s10  }
0x13: {  	s13 =	sadd.s32 $0x400, s11;
	s17 =	smov.u32 s11;
	p2 =	sgt.s32 s15, $0xC7  }
0x14: {  	s17 =	smov.u32 @p2 s13  }
0x15: {  	s15 =	smov.u32 @p2 s7;
	p2 =	sgt.s32 s17, $0x3FF  }
0x16: {  	s17 =	smov.u32 @p2 s3;
	p2 =	sne.s32 s12, s8  }
.Ltmp1:
0x17: {  	p1 =	slt.u32 s12, $0x2;
	(pc) =	sbr.rel @!p2 .LBB1_6-.Ltmp1, $4  }
0x18: {  	s16 =	simm.s32 @!p1 $0x2  }
0x19: {  	s14 =	smov.u32 s11;
	p0 =	por !p0, !p0;
	_ =	swait.ge @!p1 [sflag:s16], $0x2000  }
0x1a: {  	s13 =	smov.u32 s10;
	[sflag:s16] =	ssyncset.done @!p1 $0x0;
	s10 =	smov.u32 s15  }
0x1b: {  	s12 =	sadd.s32 $0x1, s12;
	[sflag:s16] =	ssyncadd.s32 @!p1 $0xFFFFE000;
	s11 =	smov.u32 s17  }
.LBB1_1:
0x1c: {  	p1 =	sge.u32 s12, s5  }
0x1d: {  	s15 =	sand.u32 @!p1 $0x1FFFFFF, s10  }
0x1e: {  	s16 =	smulhi.u32 @!p1 $0x147AE15, s15;
	_ =	sdelay $0x1  }
0x1f: {  	s16 =	smul.u32 @!p1 $0xC8, s16  }
0x20: {  	s17 =	sxor.u32 @!p1 $0xFFFFFFFF, s12;
	s18 =	smul.u32 @!p1 $0xC80, s11  }
0x21: {  	s31 =	sadd.s32 $0xFFFFFFFF, s12;
	s17 =	sshll.u32 @!p1 s17, $0xD;
	s15 =	ssub.s32 @!p1 s15, s16  }
0x22: {  	s16 =	sand.u32 @!p1 $0x2000, s17;
	s17 =	sadd.s32 @!p1 s6, s18;
	s15 =	sshll.u32 @!p1 s15, $0x4  }
0x23: {  	s18 =	simm.s32 @!p1 $0x6400;
	s15 =	sadd.s32 @!p1 s15, s17;
	s17 =	simm.s32 @!p1 $0x40  }
0x24: {  	[tilespmem:s16], [sflag:$0x1] =	stream.strided.gather @!p1 [hbm4b:s15+s17], $0x2000, s18, s17, $0x38;
	[tilespmem:$0x8080] =	vst v63  }
0x25: {  	p1 =	sge.u32 s31, s5  }
.Ltmp2:
0x26: {  	_ = 	snop;
	(pc) =	sbr.rel @p1 .LBB1_5-.Ltmp2, $1  }
0x27: {  	_ =	sdelay $0x3  }
0x28: {  	s15 =	simm.s32 $0x1  }
0x29: {  	_ =	swait.ge [sflag:s4], $0x2000;
	s15 =	simm.s32 @!p0 $0x0  }
0x2a: {  	[sflag:s4] =	ssyncset.done $0x0;
	s16 =	sshll.u32 s15, $0xD  }
0x2b: {  	[sflag:s4] =	ssyncadd.s32 $0xFFFFE000;
	s19 =	sor.u32 $0x20, s16  }
0x2c: {  	s15 =	smul.u32 $0x8100, s15;
	v3 =	vld [tilespmem:s19+$0x10]  }
0x2d: {  	s30 =	sand.u32 $0x1, s12;
	v2 =	vld [tilespmem:s19+$0xFFFFFFF0]  }
0x2e: {  	s16 =	smul.u32 $0x8100, s30;
	s15 =	sshrl.u32 s15, $0x2;
	v0 =	vld [tilespmem:s19+$0x0]  }
0x2f: {  	v1 =	vld [tilespmem:s19+$0xFFFFFFE0];
	s17 =	sor.u32 $0x4000, s15  }
0x30: {  	s31 =	sshrl.u32 s16, $0x2;
	s16 =	sadd.s32 $0x0, s17  }
0x31: {  	s18 =	simm.s32 $0x4;
	s19 =	sadd.s32 $0x40, s19;
	s15 =	sor.u32 $0x4000, s31;
	[tilespmem:s16+$0x1830 ss:$0x81] =	vst.msk $0xffff, v3  }
.LBB1_3:
0x32: {  	v3 =	vld [tilespmem:s19+$0x10];
	p1 =	sne.s32 s18, $0x1FC;
	[tilespmem:s16+$0x810 ss:$0x81] =	vst.msk $0xffff, v2;
	s20 =	smov.u32 s18;
	s18 =	sadd.s32 $0x4, s18  }
.Ltmp3:
0x33: {  	v2 =	vld [tilespmem:s19+$0xFFFFFFF0];
	[tilespmem:s16+$0x1020 ss:$0x81] =	vst.msk $0xffff, v0;
	(pc) =	sbr.rel @p1 .LBB1_3-.Ltmp3, $4  }
0x34: {  	v0 =	vld [tilespmem:s19+$0x0];
	[tilespmem:s16+$0x0 ss:$0x81] =	vst.msk $0xffff, v1  }
0x35: {  	s16 =	sshra.s32 s20, $0x2;
	v1 =	vld [tilespmem:s19+$0xFFFFFFE0]  }
0x36: {  	s16 =	sadd.s32 s16, s17  }
0x37: {  	s19 =	sadd.s32 $0x40, s19;
	[tilespmem:s16+$0x1830 ss:$0x81] =	vst.msk $0xffff, v3  }
.Ltmp4:
0x38: {  	_ = 	snop;
	(pc) =	sbr.rel .LBB1_4-.Ltmp4, $1  }
0x39: {  	_ =	sdelay $0x3  }
.LBB1_6:
0x3a: {  	_ =	sfence.sel $0x180000  }
0x3b: {  	s2 =	simm.s32 $0x1;
	[bflag:$0x0] =	sbarrier.arrive $0xFFFF  }
0x3c: {  	s31 =	simm.s32 $0x2;
	[sflag:s2] =	ssyncpa.u1 $0x1  }
0x3d: {  	[sflag:s31] =	ssyncpa.u1 $0x1  }
0x3e: {  	p0 =	sne.s32 s0, $0x0;
	_ =	strace $0x9000004A  }
0x3f: {  	s0 =	sadd.s32 @!p0 $0x100000, s1;
	[bflag:$0x2] =	sbarrier.arrive $0xFFFF  }
0x40: {  	[sflag:s0] =	ssyncadd.tile.s32 @!p0 $0x1;
	_ =	shalt  }
.Lfunc_end1:
_tile_overlayer_lowered:
.L_overlay_start_2:
0x41: {  	(tag) =	ssettag $0x2  }
0x42: {  	s0 =	rddreg [dreg:$0x0];
	s2 =	stileid.u32  }
0x43: {  	s1 =	rddreg [dreg:$0x1];
	p0 =	sne.s32 s2, $0x0  }
0x44: {  	s3 =	rddreg [dreg:$0x2];
	[bflag:$0x3] =	sbarrier.arrive $0xFFFF;
	s2 =	simm.s32 @!p0 $0x1C01  }
0x45: {  	[timem:s3], [sflag:s2] =	dma.local @!p0 [hbm:s0], s1  }
0x46: {  	s0 =	simm.s32 @!p0 $0x1  }
0x47: {  	_ =	swait.ge @!p0 [sflag:s0], s1  }
0x48: {  	s1 =	ssub.s32 @!p0 $0x0, s1;
	[sflag:s0] =	ssyncset.done @!p0 $0x0  }
0x49: {  	[sflag:s0] =	ssyncadd.s32 @!p0 s1  }
0x4a: {  	[bflag:$0x3] =	sbarrier.arrive $0xFFFF  }
0x4b: {  	_ =	shalt  }

</sc_bundles>
